<compile_context>
chip_gen: v7x
topology: tpu7x:2x2x1
jax: 0.10.2.dev20260603
libtpu: 0.0.44.dev20260713+nightly
codegen_flags: <defaults>
</compile_context>

<pallas_src>
import functools

import jax
import jax.numpy as jnp
import numpy as np
from jax import lax
from jax.experimental import pallas as pl
from jax.experimental.pallas import tpu as pltpu
from jax.experimental.pallas import tpu_sc as plsc

NC, NS, L = 2, 16, 16
S = 16
V = 100000
VA = 99968
CW = 1408
U = 10
NEG = np.float32(-3.4e38)
BIG = np.int32(1 << 20)

_DNUMS = lax.GatherDimensionNumbers(
    offset_dims=(), collapsed_slice_dims=(0,), start_index_map=(0,))


def _clamp01(x):
    return jnp.minimum(jnp.maximum(x, 0), 1)


def _sc_body(ids_hbm, row0_hbm, tail_hbm, logits_hbm, prev_hbm,
             draft_hbm, counts_hbm, last_hbm,
             row_v, gbuf, ids_v, pv_v, bon_v, out_v, s0):
    w = lax.axis_index("s") * NC + lax.axis_index("c")
    li = lax.iota(jnp.int32, L)

    def rot(x, sh):
        return lax.gather(x, ((li + sh) % L)[:, None], _DNUMS,
                          slice_sizes=(1,),
                          mode=lax.GatherScatterMode.PROMISE_IN_BOUNDS)

    def usum(x):
        for sh in (1, 2, 4, 8):
            x = x + rot(x, sh)
        return x

    pltpu.sync_copy(prev_hbm, pv_v)
    pa = pv_v[pl.ds(0, L)]
    pb = pv_v[pl.ds(L, L)]
    eqa = 1 - jnp.minimum(jnp.abs(li - w), 1)
    eqb = 1 - jnp.minimum(jnp.abs(li - (w - L)), 1)
    p = usum(pa * eqa + pb * eqb)
    out_v[...] = p
    p_s = out_v[...][0]

    pltpu.sync_copy(ids_hbm.at[pl.ds(w * S, S)], ids_v)
    ids = ids_v[...]

    def fetch(r):
        @pl.when(r < 0)
        def _():
            pltpu.sync_copy(row0_hbm.at[pl.ds(w * V, V)], row_v)

        @pl.when(r >= 0)
        def _():
            grp = (w * S + r) // 8
            i = r - (r // 8) * 8

            def chunk(ck, carry):
                pltpu.make_async_copy(
                    logits_hbm.at[pl.ds(grp * 8, 8), pl.ds(ck * CW, CW)],
                    gbuf, s0).start()
                pltpu.make_async_copy(
                    logits_hbm.at[pl.ds(grp * 8, 8), pl.ds(ck * CW, CW)],
                    gbuf, s0).wait()

                def mv(j, c2):
                    row_v[pl.ds(ck * CW + j * L, L)] = gbuf[i, pl.ds(j * L, L)]
                    return c2

                return lax.fori_loop(0, CW // L, mv, carry)

            lax.fori_loop(0, VA // CW, chunk, 0)
            pltpu.sync_copy(tail_hbm.at[pl.ds((w * S + r) * (V - VA), V - VA)],
                            row_v.at[pl.ds(VA, V - VA)])

    def argmax_row():
        def inner(j, car):
            im, imi = car
            for u in range(U):
                off = j * (L * U) + u * L
                v = row_v[pl.ds(off, L)]
                pred = v > im
                idx = li + off
                im = jnp.where(pred, v, im)
                imi = jnp.where(pred, idx, imi)
            return im, imi

        m, mi = lax.fori_loop(0, V // (L * U), inner,
                              (jnp.full((L,), NEG), jnp.zeros((L,), jnp.int32)))
        mv = m
        for sh in (1, 2, 4, 8):
            mv = jnp.maximum(mv, rot(mv, sh))
        neq01 = jnp.minimum((mv - m) * np.float32(1e38), np.float32(1.0))
        mi_f = mi.astype(jnp.float32)
        cand = mi_f + neq01 * (np.float32(BIG) - mi_f)
        for sh in (1, 2, 4, 8):
            cand = jnp.minimum(cand, rot(cand, sh))
        return cand.astype(jnp.int32)

    r0 = jnp.minimum(p_s - 1, S - 1)

    def rbody(r, carry):
        done, r_fin = carry
        act = (1 - done) * _clamp01(r - r0 + 1)

        @pl.when(act == 1)
        def _():
            fetch(r)
            ra = argmax_row()
            bon_v[...] = ra
            oh = 1 - jnp.minimum(jnp.abs(li - (r + 1)), 1)
            idr1 = usum(ids * oh)
            out_v[...] = jnp.minimum(jnp.abs(ra - idr1), 1)

        dm_s = out_v[...][0]
        dm_eff = jnp.maximum(dm_s, _clamp01(r - (S - 2)))
        stop_now = act * dm_eff
        r_fin = r_fin + stop_now * (r - r_fin)
        done = jnp.minimum(done + stop_now, 1)
        return (done, r_fin)

    _, r_fin = lax.fori_loop(0, S, rbody, (jnp.int32(0), jnp.int32(0)))

    nn_s = jnp.maximum(r_fin - (p_s - 1), 0)
    nn = li * 0 + nn_s
    na = p + nn
    c0 = 1 - jnp.minimum(li, 1)
    c1 = 1 - jnp.minimum(jnp.abs(li - 1), 1)
    out_v[...] = nn * c0 + na * c1
    pltpu.sync_copy(out_v, counts_hbm.at[pl.ds(w * L, L)])

    shifted = rot(ids, 1)
    bonus = bon_v[...]
    a01 = _clamp01(na - 1 - li)
    b01 = 1 - jnp.minimum(jnp.abs(li - (na - 1)), 1)
    out_v[...] = shifted * a01 + bonus * b01
    pltpu.sync_copy(out_v, draft_hbm.at[pl.ds(w * L, L)])

    pltpu.sync_copy(row_v, last_hbm.at[pl.ds(w * V, V)])


def kernel(input_ids, target_logits, num_previously_accepted):
    B, S_ = input_ids.shape
    V_ = target_logits.shape[2]
    logits2d = target_logits.reshape(B * S_, V_)
    row0 = target_logits[:, 0, :].reshape(-1)
    tail = target_logits[:, :, VA:].reshape(-1)
    ids1d = input_ids.reshape(-1)
    prev = num_previously_accepted.astype(jnp.int32)

    mesh = plsc.VectorSubcoreMesh(core_axis_name="c", subcore_axis_name="s",
                                  num_cores=NC, num_subcores=NS)
    f = pl.kernel(
        _sc_body,
        out_type=[
            jax.ShapeDtypeStruct((B * L,), jnp.int32),
            jax.ShapeDtypeStruct((B * L,), jnp.int32),
            jax.ShapeDtypeStruct((B * V_,), jnp.float32),
        ],
        mesh=mesh,
        scratch_types=[
            pltpu.VMEM((V,), jnp.float32),
            pltpu.VMEM((8, CW), jnp.float32),
            pltpu.VMEM((L,), jnp.int32),
            pltpu.VMEM((2 * L,), jnp.int32),
            pltpu.VMEM((L,), jnp.int32),
            pltpu.VMEM((L,), jnp.int32),
            pltpu.SemaphoreType.DMA,
        ],
    )
    draft, counts, last = f(ids1d, row0, tail, logits2d, prev)

    draft2 = draft.reshape(B, L)
    counts2 = counts.reshape(B, L)
    draft_input_ids = draft2[:, :S_].astype(input_ids.dtype)
    num_newly = counts2[:, 0].astype(num_previously_accepted.dtype)
    num_accepted = counts2[:, 1].astype(num_previously_accepted.dtype)
    return (draft_input_ids, num_newly, num_accepted,
            last.reshape(B, 1, V_))

# --- scband reference (transcript-rebuilt; emitter-appended) ---
"""Pipeline reference for scband-eagle-wrapper-41996190221113 (READ-ONLY COPY).

The authoritative reference and input builder live on the scoring server;
editing this copy changes nothing except your own understanding.
"""

import jax, jax.numpy as jnp
import numpy as np


def setup_inputs(seed: int = 0) -> dict:
    key = jax.random.key(seed)
    k1, k2 = jax.random.split(key)
    B, S, V = 32, 16, 100000
    target_logits = jax.random.normal(k1, (B, S, V), dtype=jnp.float32)
    input_ids = jax.random.randint(k2, (B, S), 0, V, dtype=jnp.int32)
    num_previously_accepted = jnp.ones((B,), dtype=jnp.int32)
    return {
        'input_ids': input_ids,
        'target_logits': target_logits,
        'num_previously_accepted': num_previously_accepted,
    }


def reference(input_ids, target_logits, num_previously_accepted):
    # Faithful vectorized translation of EagleWrapper.sample_and_verify
    B, S = input_ids.shape
    # greedy sample over full sequence: greedy[:, j-1] corresponds to input_ids[:, j]
    greedy = jnp.argmax(target_logits, axis=-1).astype(input_ids.dtype)  # [B, S]
    # matches[i, m] compares greedy at position m (logit index) with input token m+1
    matches = (greedy[:, :-1] == input_ids[:, 1:]).astype(jnp.int32)  # [B, S-1]
    m_idx = jnp.arange(S - 1)[None, :]
    p = num_previously_accepted[:, None].astype(jnp.int32)
    # positions before the unchecked region are forced to 1 so cumprod passes through
    masked = jnp.where(m_idx >= p - 1, matches, 1)
    prefix = jnp.cumprod(masked, axis=1)
    num_newly = jnp.sum(prefix * (m_idx >= p - 1).astype(jnp.int32), axis=1)
    num_newly = num_newly.astype(num_previously_accepted.dtype)
    num_accepted = num_previously_accepted + num_newly
    na = num_accepted[:, None].astype(jnp.int32)
    # draft_input_ids[i, k] = input_ids[i, k+1] for k < na-1; greedy[i, na-1] at k == na-1; else 0
    shifted = jnp.concatenate(
        [input_ids[:, 1:], jnp.zeros((B, 1), dtype=input_ids.dtype)], axis=1)
    bonus = jnp.take_along_axis(greedy, na - 1, axis=1)  # [B, 1]
    k_idx = jnp.arange(S)[None, :]
    draft_input_ids = jnp.where(
        k_idx < na - 1, shifted,
        jnp.where(k_idx == na - 1, bonus, jnp.zeros((), dtype=input_ids.dtype)))
    draft_input_ids = draft_input_ids.astype(input_ids.dtype)
    # bonus logit: target_logits[i, p-1+num_newly] == target_logits[i, num_accepted-1]
    last_logits_3d = jnp.take_along_axis(
        target_logits, (na - 1)[:, :, None], axis=1)  # [B, 1, V]
    return (draft_input_ids, num_newly, num_accepted, last_logits_3d)

if __name__ == "__main__":
    import jax
    _d = setup_inputs()
    print(jax.jit(kernel)(*tuple(_d.values())))

</pallas_src>

<mosaic_0001>
#map = affine_map<(d0, d1) -> (0)>
#map1 = affine_map<(d0, d1) -> (0, 0)>
module attributes {stable_mosaic.version = 14 : i64} {
  func.func @_sc_body(%arg0: i32, %arg1: i32, %arg2: memref<512xi32, #tpu.memory_space<hbm>>, %arg3: memref<3200000xf32, #tpu.memory_space<hbm>>, %arg4: memref<16384xf32, #tpu.memory_space<hbm>>, %arg5: memref<512x100000xf32, #tpu.memory_space<hbm>>, %arg6: memref<32xi32, #tpu.memory_space<hbm>>, %arg7: memref<512xi32, #tpu.memory_space<hbm>>, %arg8: memref<512xi32, #tpu.memory_space<hbm>>, %arg9: memref<3200000xf32, #tpu.memory_space<hbm>>, %arg10: memref<100000xf32, #tpu.memory_space<vmem>>, %arg11: memref<8x1408xf32, #tpu.memory_space<vmem>>, %arg12: memref<16xi32, #tpu.memory_space<vmem>>, %arg13: memref<32xi32, #tpu.memory_space<vmem>>, %arg14: memref<16xi32, #tpu.memory_space<vmem>>, %arg15: memref<16xi32, #tpu.memory_space<vmem>>, %arg16: memref<!tpu.dma_semaphore, #tpu.memory_space<semaphore_mem>>) attributes {dimension_semantics = [#tpu.dimension_semantics<core_parallel>, #tpu.dimension_semantics<subcore_parallel>], iteration_bounds = array<i64: 2, 16>, scalar_prefetch = 0 : i64, scratch_operands = 7 : i64, tpu.core_type = #tpu.core_type<sc_vector_subcore>, window_params = [{transform_indices = #map}, {transform_indices = #map}, {transform_indices = #map}, {transform_indices = #map1}, {transform_indices = #map}, {transform_indices = #map}, {transform_indices = #map}, {transform_indices = #map}]} {
    %mul3A = arith.constant 2 : i32
    %mul3A_0 = arith.muli %arg1, %mul3A : i32
    %add3A = arith.addi %mul3A_0, %arg0 : i32
    %iota3A = tpu.iota {dimensions = array<i32: 0>} : vector<16xi32>
    "tpu.region"() ({
      %run_scoped3A = tpu.sem_alloc : memref<!tpu.dma_semaphore, #tpu.memory_space<semaphore_mem>>
      tpu.enqueue_dma source(%arg6 : memref<32xi32, #tpu.memory_space<hbm>>) target(%arg13 : memref<32xi32, #tpu.memory_space<vmem>>) target_semaphore(%run_scoped3A : memref<!tpu.dma_semaphore, #tpu.memory_space<semaphore_mem>>)
      tpu.wait_dma2 semaphore(%run_scoped3A : memref<!tpu.dma_semaphore, #tpu.memory_space<semaphore_mem>>) src(%arg6 : memref<32xi32, #tpu.memory_space<hbm>>) dst(%arg13 : memref<32xi32, #tpu.memory_space<vmem>>)
      tpu.yield
    }) : () -> ()
    %get3A = arith.constant 0 : index
    %get3A_1 = tpu.vector_load %arg13[%get3A] {strides = array<i32>} : memref<32xi32, #tpu.memory_space<vmem>>, vector<16xi32>,
    %get3A_2 = vector.shape_cast %get3A_1 : vector<16xi32> to vector<16xi32>
    %get3A_3 = arith.constant 16 : index
    %get3A_4 = tpu.vector_load %arg13[%get3A_3] {strides = array<i32>} : memref<32xi32, #tpu.memory_space<vmem>>, vector<16xi32>,
    %get3A_5 = vector.shape_cast %get3A_4 : vector<16xi32> to vector<16xi32>
    %sub3A = vector.broadcast %add3A : i32 to vector<16xi32>
    %sub3A_6 = arith.subi %iota3A, %sub3A : vector<16xi32>
    %abs3A = math.absi %sub3A_6 : vector<16xi32>
    %min3A = arith.constant 1 : i32
    %min3A_7 = vector.broadcast %min3A : i32 to vector<16xi32>
    %min3A_8 = arith.minsi %abs3A, %min3A_7 : vector<16xi32>
    %sub3A_9 = arith.constant 1 : i32
    %sub3A_10 = vector.broadcast %sub3A_9 : i32 to vector<16xi32>
    %sub3A_11 = arith.subi %sub3A_10, %min3A_8 : vector<16xi32>
    %sub3A_12 = arith.constant 16 : i32
    %sub3A_13 = arith.subi %add3A, %sub3A_12 : i32
    %sub3A_14 = vector.broadcast %sub3A_13 : i32 to vector<16xi32>
    %sub3A_15 = arith.subi %iota3A, %sub3A_14 : vector<16xi32>
    %abs3A_16 = math.absi %sub3A_15 : vector<16xi32>
    %min3A_17 = arith.constant 1 : i32
    %min3A_18 = vector.broadcast %min3A_17 : i32 to vector<16xi32>
    %min3A_19 = arith.minsi %abs3A_16, %min3A_18 : vector<16xi32>
    %sub3A_20 = arith.constant 1 : i32
    %sub3A_21 = vector.broadcast %sub3A_20 : i32 to vector<16xi32>
    %sub3A_22 = arith.subi %sub3A_21, %min3A_19 : vector<16xi32>
    %mul3A_23 = arith.muli %get3A_2, %sub3A_11 : vector<16xi32>
    %mul3A_24 = arith.muli %get3A_5, %sub3A_22 : vector<16xi32>
    %add3A_25 = arith.addi %mul3A_23, %mul3A_24 : vector<16xi32>
    %add3A_26 = arith.constant 1 : i32
    %add3A_27 = vector.broadcast %add3A_26 : i32 to vector<16xi32>
    %add3A_28 = arith.addi %iota3A, %add3A_27 : vector<16xi32>
    %jit3A = arith.constant 16 : i32
    %eq3A = arith.constant 0 : i32
    %eq3A_29 = arith.cmpi eq, %jit3A, %eq3A : i32
    %jit3A_30 = arith.constant 1 : i32
    %select_n3A = arith.select %eq3A_29, %jit3A_30, %jit3A : i32
    %rem3A = vector.broadcast %select_n3A : i32 to vector<16xi32>
    %rem3A_31 = arith.remsi %add3A_28, %rem3A : vector<16xi32>
    %ne3A = arith.constant 0 : i32
    %ne3A_32 = vector.broadcast %ne3A : i32 to vector<16xi32>
    %ne3A_33 = arith.cmpi ne, %rem3A_31, %ne3A_32 : vector<16xi32>
    %lt3A = arith.constant 0 : i32
    %lt3A_34 = vector.broadcast %lt3A : i32 to vector<16xi32>
    %lt3A_35 = arith.cmpi slt, %rem3A_31, %lt3A_34 : vector<16xi32>
    %lt3A_36 = arith.constant 0 : i32
    %lt3A_37 = arith.cmpi slt, %select_n3A, %lt3A_36 : i32
    %ne3A_38 = vector.broadcast %lt3A_37 : i1 to vector<16xi1>
    %ne3A_39 = vector.broadcast %ne3A_38 : vector<16xi1> to vector<16xi1>
    %ne3A_40 = arith.xori %lt3A_35, %ne3A_39 : vector<16xi1>
    %and3A = arith.andi %ne3A_40, %ne3A_33 : vector<16xi1>
    %add3A_41 = vector.broadcast %select_n3A : i32 to vector<16xi32>
    %add3A_42 = arith.addi %rem3A_31, %add3A_41 : vector<16xi32>
    %select_n3A_43 = arith.select %and3A, %add3A_42, %rem3A_31 : vector<16xi1>, vector<16xi32>
    %broadcast_in_dim3A = vector.shape_cast %select_n3A_43 : vector<16xi32> to vector<16x1xi32>
    %gather3A = vector.shape_cast %broadcast_in_dim3A : vector<16x1xi32> to vector<16xi32>
    %gather3A_44 = tpu.dynamic_gather %add3A_25[%gather3A] in [0] : vector<16xi32>, vector<16xi32> -> vector<16xi32>
    %add3A_45 = arith.addi %add3A_25, %gather3A_44 : vector<16xi32>
    %add3A_46 = arith.constant 2 : i32
    %add3A_47 = vector.broadcast %add3A_46 : i32 to vector<16xi32>
    %add3A_48 = arith.addi %iota3A, %add3A_47 : vector<16xi32>
    %jit3A_49 = arith.constant 16 : i32
    %eq3A_50 = arith.constant 0 : i32
    %eq3A_51 = arith.cmpi eq, %jit3A_49, %eq3A_50 : i32
    %jit3A_52 = arith.constant 1 : i32
    %select_n3A_53 = arith.select %eq3A_51, %jit3A_52, %jit3A_49 : i32
    %rem3A_54 = vector.broadcast %select_n3A_53 : i32 to vector<16xi32>
    %rem3A_55 = arith.remsi %add3A_48, %rem3A_54 : vector<16xi32>
    %ne3A_56 = arith.constant 0 : i32
    %ne3A_57 = vector.broadcast %ne3A_56 : i32 to vector<16xi32>
    %ne3A_58 = arith.cmpi ne, %rem3A_55, %ne3A_57 : vector<16xi32>
    %lt3A_59 = arith.constant 0 : i32
    %lt3A_60 = vector.broadcast %lt3A_59 : i32 to vector<16xi32>
    %lt3A_61 = arith.cmpi slt, %rem3A_55, %lt3A_60 : vector<16xi32>
    %lt3A_62 = arith.constant 0 : i32
    %lt3A_63 = arith.cmpi slt, %select_n3A_53, %lt3A_62 : i32
    %ne3A_64 = vector.broadcast %lt3A_63 : i1 to vector<16xi1>
    %ne3A_65 = vector.broadcast %ne3A_64 : vector<16xi1> to vector<16xi1>
    %ne3A_66 = arith.xori %lt3A_61, %ne3A_65 : vector<16xi1>
    %and3A_67 = arith.andi %ne3A_66, %ne3A_58 : vector<16xi1>
    %add3A_68 = vector.broadcast %select_n3A_53 : i32 to vector<16xi32>
    %add3A_69 = arith.addi %rem3A_55, %add3A_68 : vector<16xi32>
    %select_n3A_70 = arith.select %and3A_67, %add3A_69, %rem3A_55 : vector<16xi1>, vector<16xi32>
    %broadcast_in_dim3A_71 = vector.shape_cast %select_n3A_70 : vector<16xi32> to vector<16x1xi32>
    %gather3A_72 = vector.shape_cast %broadcast_in_dim3A_71 : vector<16x1xi32> to vector<16xi32>
    %gather3A_73 = tpu.dynamic_gather %add3A_45[%gather3A_72] in [0] : vector<16xi32>, vector<16xi32> -> vector<16xi32>
    %add3A_74 = arith.addi %add3A_45, %gather3A_73 : vector<16xi32>
    %add3A_75 = arith.constant 4 : i32
    %add3A_76 = vector.broadcast %add3A_75 : i32 to vector<16xi32>
    %add3A_77 = arith.addi %iota3A, %add3A_76 : vector<16xi32>
    %jit3A_78 = arith.constant 16 : i32
    %eq3A_79 = arith.constant 0 : i32
    %eq3A_80 = arith.cmpi eq, %jit3A_78, %eq3A_79 : i32
    %jit3A_81 = arith.constant 1 : i32
    %select_n3A_82 = arith.select %eq3A_80, %jit3A_81, %jit3A_78 : i32
    %rem3A_83 = vector.broadcast %select_n3A_82 : i32 to vector<16xi32>
    %rem3A_84 = arith.remsi %add3A_77, %rem3A_83 : vector<16xi32>
    %ne3A_85 = arith.constant 0 : i32
    %ne3A_86 = vector.broadcast %ne3A_85 : i32 to vector<16xi32>
    %ne3A_87 = arith.cmpi ne, %rem3A_84, %ne3A_86 : vector<16xi32>
    %lt3A_88 = arith.constant 0 : i32
    %lt3A_89 = vector.broadcast %lt3A_88 : i32 to vector<16xi32>
    %lt3A_90 = arith.cmpi slt, %rem3A_84, %lt3A_89 : vector<16xi32>
    %lt3A_91 = arith.constant 0 : i32
    %lt3A_92 = arith.cmpi slt, %select_n3A_82, %lt3A_91 : i32
    %ne3A_93 = vector.broadcast %lt3A_92 : i1 to vector<16xi1>
    %ne3A_94 = vector.broadcast %ne3A_93 : vector<16xi1> to vector<16xi1>
    %ne3A_95 = arith.xori %lt3A_90, %ne3A_94 : vector<16xi1>
    %and3A_96 = arith.andi %ne3A_95, %ne3A_87 : vector<16xi1>
    %add3A_97 = vector.broadcast %select_n3A_82 : i32 to vector<16xi32>
    %add3A_98 = arith.addi %rem3A_84, %add3A_97 : vector<16xi32>
    %select_n3A_99 = arith.select %and3A_96, %add3A_98, %rem3A_84 : vector<16xi1>, vector<16xi32>
    %broadcast_in_dim3A_100 = vector.shape_cast %select_n3A_99 : vector<16xi32> to vector<16x1xi32>
    %gather3A_101 = vector.shape_cast %broadcast_in_dim3A_100 : vector<16x1xi32> to vector<16xi32>
    %gather3A_102 = tpu.dynamic_gather %add3A_74[%gather3A_101] in [0] : vector<16xi32>, vector<16xi32> -> vector<16xi32>
    %add3A_103 = arith.addi %add3A_74, %gather3A_102 : vector<16xi32>
    %add3A_104 = arith.constant 8 : i32
    %add3A_105 = vector.broadcast %add3A_104 : i32 to vector<16xi32>
    %add3A_106 = arith.addi %iota3A, %add3A_105 : vector<16xi32>
    %jit3A_107 = arith.constant 16 : i32
    %eq3A_108 = arith.constant 0 : i32
    %eq3A_109 = arith.cmpi eq, %jit3A_107, %eq3A_108 : i32
    %jit3A_110 = arith.constant 1 : i32
    %select_n3A_111 = arith.select %eq3A_109, %jit3A_110, %jit3A_107 : i32
    %rem3A_112 = vector.broadcast %select_n3A_111 : i32 to vector<16xi32>
    %rem3A_113 = arith.remsi %add3A_106, %rem3A_112 : vector<16xi32>
    %ne3A_114 = arith.constant 0 : i32
    %ne3A_115 = vector.broadcast %ne3A_114 : i32 to vector<16xi32>
    %ne3A_116 = arith.cmpi ne, %rem3A_113, %ne3A_115 : vector<16xi32>
    %lt3A_117 = arith.constant 0 : i32
    %lt3A_118 = vector.broadcast %lt3A_117 : i32 to vector<16xi32>
    %lt3A_119 = arith.cmpi slt, %rem3A_113, %lt3A_118 : vector<16xi32>
    %lt3A_120 = arith.constant 0 : i32
    %lt3A_121 = arith.cmpi slt, %select_n3A_111, %lt3A_120 : i32
    %ne3A_122 = vector.broadcast %lt3A_121 : i1 to vector<16xi1>
    %ne3A_123 = vector.broadcast %ne3A_122 : vector<16xi1> to vector<16xi1>
    %ne3A_124 = arith.xori %lt3A_119, %ne3A_123 : vector<16xi1>
    %and3A_125 = arith.andi %ne3A_124, %ne3A_116 : vector<16xi1>
    %add3A_126 = vector.broadcast %select_n3A_111 : i32 to vector<16xi32>
    %add3A_127 = arith.addi %rem3A_113, %add3A_126 : vector<16xi32>
    %select_n3A_128 = arith.select %and3A_125, %add3A_127, %rem3A_113 : vector<16xi1>, vector<16xi32>
    %broadcast_in_dim3A_129 = vector.shape_cast %select_n3A_128 : vector<16xi32> to vector<16x1xi32>
    %gather3A_130 = vector.shape_cast %broadcast_in_dim3A_129 : vector<16x1xi32> to vector<16xi32>
    %gather3A_131 = tpu.dynamic_gather %add3A_103[%gather3A_130] in [0] : vector<16xi32>, vector<16xi32> -> vector<16xi32>
    %add3A_132 = arith.addi %add3A_103, %gather3A_131 : vector<16xi32>
    %swap3A = arith.constant 0 : index
    %swap3A_133 = tpu.vector_load %arg15[%swap3A] {strides = array<i32>} : memref<16xi32, #tpu.memory_space<vmem>>, vector<16xi32>,
    %swap3A_134 = vector.shape_cast %swap3A_133 : vector<16xi32> to vector<16xi32>
    %swap3A_135 = vector.shape_cast %add3A_132 : vector<16xi32> to vector<16xi32>
    tpu.vector_store %arg15[%swap3A], %swap3A_135 {strides = array<i32>} : memref<16xi32, #tpu.memory_space<vmem>>, vector<16xi32>,
    %get3A_136 = arith.constant 0 : index
    %get3A_137 = tpu.vector_load %arg15[%get3A_136] {strides = array<i32>} : memref<16xi32, #tpu.memory_space<vmem>>, vector<16xi32>,
    %get3A_138 = vector.shape_cast %get3A_137 : vector<16xi32> to vector<16xi32>
    %slice3A = vector.extract_strided_slice %get3A_138 {offsets = [0], sizes = [1], strides = [1]} : vector<16xi32> to vector<1xi32>
    %squeeze3A = vector.extract %slice3A[0] : i32 from vector<1xi32>
    %mul3A_139 = arith.constant 16 : i32
    %mul3A_140 = arith.muli %add3A, %mul3A_139 : i32
    "tpu.region"() ({
      %run_scoped3A = tpu.sem_alloc : memref<!tpu.dma_semaphore, #tpu.memory_space<semaphore_mem>>
      %dma_start3A = tpu.memref_slice %arg2[%mul3A_140] : memref<512xi32, #tpu.memory_space<hbm>> -> memref<16xi32, #tpu.memory_space<hbm>>
      %dma_start3A_253 = tpu.memref_slice %arg2[%mul3A_140] : memref<512xi32, #tpu.memory_space<hbm>> -> memref<16xi32, #tpu.memory_space<hbm>>
      tpu.enqueue_dma source(%dma_start3A_253 : memref<16xi32, #tpu.memory_space<hbm>>) target(%arg12 : memref<16xi32, #tpu.memory_space<vmem>>) target_semaphore(%run_scoped3A : memref<!tpu.dma_semaphore, #tpu.memory_space<semaphore_mem>>)
      %dma_wait3A = tpu.memref_slice %arg2[%mul3A_140] : memref<512xi32, #tpu.memory_space<hbm>> -> memref<16xi32, #tpu.memory_space<hbm>>
      %dma_wait3A_254 = tpu.memref_slice %arg2[%mul3A_140] : memref<512xi32, #tpu.memory_space<hbm>> -> memref<16xi32, #tpu.memory_space<hbm>>
      tpu.wait_dma2 semaphore(%run_scoped3A : memref<!tpu.dma_semaphore, #tpu.memory_space<semaphore_mem>>) src(%dma_wait3A_254 : memref<16xi32, #tpu.memory_space<hbm>>) dst(%arg12 : memref<16xi32, #tpu.memory_space<vmem>>)
      tpu.yield
    }) : () -> ()
    %get3A_141 = arith.constant 0 : index
    %get3A_142 = tpu.vector_load %arg12[%get3A_141] {strides = array<i32>} : memref<16xi32, #tpu.memory_space<vmem>>, vector<16xi32>,
    %get3A_143 = vector.shape_cast %get3A_142 : vector<16xi32> to vector<16xi32>
    %sub3A_144 = arith.constant 1 : i32
    %sub3A_145 = arith.subi %squeeze3A, %sub3A_144 : i32
    %min3A_146 = arith.constant 15 : i32
    %min3A_147 = arith.minsi %sub3A_145, %min3A_146 : i32
    %scan3A = arith.constant 0 : i32
    %scan3A_148 = arith.constant 0 : i32
    %scan3A_149 = arith.constant 0 : i32
    %scan3A_150 = arith.constant 16 : i32
    %scan3A_151 = arith.addi %scan3A_149, %scan3A_150 : i32
    %scan3A_152 = arith.constant 1 : i32
    %scan3A_153:2 = scf.for %scan3A_253 = %scan3A_149 to %scan3A_151 step %scan3A_152 iter_args(%scan3A_254 = %scan3A, %scan3A_255 = %scan3A_148) -> (i32, i32)  : i32 {
      %sub3A_256 = arith.constant 1 : i32
      %sub3A_257 = arith.subi %sub3A_256, %scan3A_254 : i32
      %sub3A_258 = arith.subi %scan3A_253, %min3A_147 : i32
      %add3A_259 = arith.constant 1 : i32
      %add3A_260 = arith.addi %sub3A_258, %add3A_259 : i32
      %max3A_261 = arith.constant 0 : i32
      %max3A_262 = arith.maxsi %add3A_260, %max3A_261 : i32
      %min3A_263 = arith.constant 1 : i32
      %min3A_264 = arith.minsi %max3A_262, %min3A_263 : i32
      %mul3A_265 = arith.muli %sub3A_257, %min3A_264 : i32
      %eq3A_266 = arith.constant 1 : i32
      %eq3A_267 = arith.cmpi eq, %mul3A_265, %eq3A_266 : i32
      %convert_element_type3A = arith.extui %eq3A_267 : i1 to i32
      %cond3A = arith.constant 0 : i32
      %cond3A_268 = arith.cmpi ne, %convert_element_type3A, %cond3A : i32
      scf.if %cond3A_268 {
        %lt3A_288 = arith.constant 0 : i32
        %lt3A_289 = arith.cmpi slt, %scan3A_253, %lt3A_288 : i32
        %convert_element_type3A_290 = arith.extui %lt3A_289 : i1 to i32
        %cond3A_291 = arith.constant 0 : i32
        %cond3A_292 = arith.cmpi ne, %convert_element_type3A_290, %cond3A_291 : i32
        scf.if %cond3A_292 {
          %mul3A_694 = arith.constant 100000 : i32
          %mul3A_695 = arith.muli %add3A, %mul3A_694 : i32
          "tpu.region"() ({
            %run_scoped3A = tpu.sem_alloc : memref<!tpu.dma_semaphore, #tpu.memory_space<semaphore_mem>>
            %dma_start3A = tpu.memref_slice %arg3[%mul3A_695] : memref<3200000xf32, #tpu.memory_space<hbm>> -> memref<100000xf32, #tpu.memory_space<hbm>>
            %dma_start3A_696 = tpu.memref_slice %arg3[%mul3A_695] : memref<3200000xf32, #tpu.memory_space<hbm>> -> memref<100000xf32, #tpu.memory_space<hbm>>
            tpu.enqueue_dma source(%dma_start3A_696 : memref<100000xf32, #tpu.memory_space<hbm>>) target(%arg10 : memref<100000xf32, #tpu.memory_space<vmem>>) target_semaphore(%run_scoped3A : memref<!tpu.dma_semaphore, #tpu.memory_space<semaphore_mem>>)
            %dma_wait3A = tpu.memref_slice %arg3[%mul3A_695] : memref<3200000xf32, #tpu.memory_space<hbm>> -> memref<100000xf32, #tpu.memory_space<hbm>>
            %dma_wait3A_697 = tpu.memref_slice %arg3[%mul3A_695] : memref<3200000xf32, #tpu.memory_space<hbm>> -> memref<100000xf32, #tpu.memory_space<hbm>>
            tpu.wait_dma2 semaphore(%run_scoped3A : memref<!tpu.dma_semaphore, #tpu.memory_space<semaphore_mem>>) src(%dma_wait3A_697 : memref<100000xf32, #tpu.memory_space<hbm>>) dst(%arg10 : memref<100000xf32, #tpu.memory_space<vmem>>)
            tpu.yield
          }) : () -> ()
        } else {
        }
        %ge3A = arith.constant 0 : i32
        %ge3A_293 = arith.cmpi sge, %scan3A_253, %ge3A : i32
        %convert_element_type3A_294 = arith.extui %ge3A_293 : i1 to i32
        %cond3A_295 = arith.constant 0 : i32
        %cond3A_296 = arith.cmpi ne, %convert_element_type3A_294, %cond3A_295 : i32
        scf.if %cond3A_296 {
          %mul3A_694 = arith.constant 16 : i32
          %mul3A_695 = arith.muli %add3A, %mul3A_694 : i32
          %add3A_696 = arith.addi %mul3A_695, %scan3A_253 : i32
          %jit3A_697 = arith.constant 8 : i32
          %div3A = arith.divsi %add3A_696, %jit3A_697 : i32
          %sign3A = arith.constant 0 : i32
          %sign3A_698 = arith.cmpi sgt, %add3A_696, %sign3A : i32
          %sign3A_699 = arith.extui %sign3A_698 : i1 to i32
          %sign3A_700 = arith.constant 0 : i32
          %sign3A_701 = arith.cmpi slt, %add3A_696, %sign3A_700 : i32
          %sign3A_702 = arith.extui %sign3A_701 : i1 to i32
          %sign3A_703 = arith.subi %sign3A_699, %sign3A_702 : i32
          %sign3A_704 = arith.constant 0 : i32
          %sign3A_705 = arith.cmpi sgt, %jit3A_697, %sign3A_704 : i32
          %sign3A_706 = arith.extui %sign3A_705 : i1 to i32
          %sign3A_707 = arith.constant 0 : i32
          %sign3A_708 = arith.cmpi slt, %jit3A_697, %sign3A_707 : i32
          %sign3A_709 = arith.extui %sign3A_708 : i1 to i32
          %sign3A_710 = arith.subi %sign3A_706, %sign3A_709 : i32
          %ne3A_711 = arith.cmpi ne, %sign3A_703, %sign3A_710 : i32
          %rem3A_712 = arith.remsi %add3A_696, %jit3A_697 : i32
          %ne3A_713 = arith.constant 0 : i32
          %ne3A_714 = arith.cmpi ne, %rem3A_712, %ne3A_713 : i32
          %and3A_715 = arith.andi %ne3A_711, %ne3A_714 : i1
          %sub3A_716 = arith.constant 1 : i32
          %sub3A_717 = arith.subi %div3A, %sub3A_716 : i32
          %select_n3A_718 = arith.select %and3A_715, %sub3A_717, %div3A : i32
          %jit3A_719 = arith.constant 8 : i32
          %div3A_720 = arith.divsi %scan3A_253, %jit3A_719 : i32
          %sign3A_721 = arith.constant 0 : i32
          %sign3A_722 = arith.cmpi sgt, %scan3A_253, %sign3A_721 : i32
          %sign3A_723 = arith.extui %sign3A_722 : i1 to i32
          %sign3A_724 = arith.constant 0 : i32
          %sign3A_725 = arith.cmpi slt, %scan3A_253, %sign3A_724 : i32
          %sign3A_726 = arith.extui %sign3A_725 : i1 to i32
          %sign3A_727 = arith.subi %sign3A_723, %sign3A_726 : i32
          %sign3A_728 = arith.constant 0 : i32
          %sign3A_729 = arith.cmpi sgt, %jit3A_719, %sign3A_728 : i32
          %sign3A_730 = arith.extui %sign3A_729 : i1 to i32
          %sign3A_731 = arith.constant 0 : i32
          %sign3A_732 = arith.cmpi slt, %jit3A_719, %sign3A_731 : i32
          %sign3A_733 = arith.extui %sign3A_732 : i1 to i32
          %sign3A_734 = arith.subi %sign3A_730, %sign3A_733 : i32
          %ne3A_735 = arith.cmpi ne, %sign3A_727, %sign3A_734 : i32
          %rem3A_736 = arith.remsi %scan3A_253, %jit3A_719 : i32
          %ne3A_737 = arith.constant 0 : i32
          %ne3A_738 = arith.cmpi ne, %rem3A_736, %ne3A_737 : i32
          %and3A_739 = arith.andi %ne3A_735, %ne3A_738 : i1
          %sub3A_740 = arith.constant 1 : i32
          %sub3A_741 = arith.subi %div3A_720, %sub3A_740 : i32
          %select_n3A_742 = arith.select %and3A_739, %sub3A_741, %div3A_720 : i32
          %mul3A_743 = arith.constant 8 : i32
          %mul3A_744 = arith.muli %select_n3A_742, %mul3A_743 : i32
          %sub3A_745 = arith.subi %scan3A_253, %mul3A_744 : i32
          %scan3A_746 = arith.constant 0 : i32
          %scan3A_747 = arith.constant 0 : i32
          %scan3A_748 = arith.constant 71 : i32
          %scan3A_749 = arith.addi %scan3A_747, %scan3A_748 : i32
          %scan3A_750 = arith.constant 1 : i32
          scf.for %scan3A_757 = %scan3A_747 to %scan3A_749 step %scan3A_750  : i32 {
            %mul3A_758 = arith.constant 8 : i32
            %mul3A_759 = arith.muli %select_n3A_718, %mul3A_758 : i32
            %mul3A_760 = arith.constant 1408 : i32
            %mul3A_761 = arith.muli %scan3A_757, %mul3A_760 : i32
            %dma_start3A = tpu.memref_slice %arg5[%mul3A_759, %mul3A_761] : memref<512x100000xf32, #tpu.memory_space<hbm>> -> memref<8x1408xf32, #tpu.memory_space<hbm>>
            %dma_start3A_762 = tpu.memref_slice %arg5[%mul3A_759, %mul3A_761] : memref<512x100000xf32, #tpu.memory_space<hbm>> -> memref<8x1408xf32, #tpu.memory_space<hbm>>
            tpu.enqueue_dma source(%dma_start3A_762 : memref<8x1408xf32, #tpu.memory_space<hbm>>) target(%arg11 : memref<8x1408xf32, #tpu.memory_space<vmem>>) target_semaphore(%arg16 : memref<!tpu.dma_semaphore, #tpu.memory_space<semaphore_mem>>)
            %mul3A_763 = arith.constant 8 : i32
            %mul3A_764 = arith.muli %select_n3A_718, %mul3A_763 : i32
            %mul3A_765 = arith.constant 1408 : i32
            %mul3A_766 = arith.muli %scan3A_757, %mul3A_765 : i32
            %dma_wait3A = tpu.memref_slice %arg5[%mul3A_764, %mul3A_766] : memref<512x100000xf32, #tpu.memory_space<hbm>> -> memref<8x1408xf32, #tpu.memory_space<hbm>>
            %dma_wait3A_767 = tpu.memref_slice %arg5[%mul3A_764, %mul3A_766] : memref<512x100000xf32, #tpu.memory_space<hbm>> -> memref<8x1408xf32, #tpu.memory_space<hbm>>
            tpu.wait_dma2 semaphore(%arg16 : memref<!tpu.dma_semaphore, #tpu.memory_space<semaphore_mem>>) src(%dma_wait3A_767 : memref<8x1408xf32, #tpu.memory_space<hbm>>) dst(%arg11 : memref<8x1408xf32, #tpu.memory_space<vmem>>)
            %scan3A_768 = arith.constant 0 : i32
            %scan3A_769 = arith.constant 88 : i32
            %scan3A_770 = arith.addi %scan3A_768, %scan3A_769 : i32
            %scan3A_771 = arith.constant 1 : i32
            scf.for %scan3A_773 = %scan3A_768 to %scan3A_770 step %scan3A_771  : i32 {
              %mul3A_774 = arith.constant 16 : i32
              %mul3A_775 = arith.muli %scan3A_773, %mul3A_774 : i32
              %get3A_776 = arith.index_cast %sub3A_745 : i32 to index
              %get3A_777 = arith.index_cast %mul3A_775 : i32 to index
              %get3A_778 = tpu.vector_load %arg11[%get3A_776, %get3A_777] {strides = array<i32>} : memref<8x1408xf32, #tpu.memory_space<vmem>>, vector<1x16xf32>,
              %get3A_779 = vector.shape_cast %get3A_778 : vector<1x16xf32> to vector<16xf32>
              %mul3A_780 = arith.constant 1408 : i32
              %mul3A_781 = arith.muli %scan3A_757, %mul3A_780 : i32
              %mul3A_782 = arith.constant 16 : i32
              %mul3A_783 = arith.muli %scan3A_773, %mul3A_782 : i32
              %add3A_784 = arith.addi %mul3A_781, %mul3A_783 : i32
              %swap3A_785 = arith.index_cast %add3A_784 : i32 to index
              %swap3A_786 = tpu.vector_load %arg10[%swap3A_785] {strides = array<i32>} : memref<100000xf32, #tpu.memory_space<vmem>>, vector<16xf32>,
              %swap3A_787 = vector.shape_cast %swap3A_786 : vector<16xf32> to vector<16xf32>
              %swap3A_788 = vector.shape_cast %get3A_779 : vector<16xf32> to vector<16xf32>
              tpu.vector_store %arg10[%swap3A_785], %swap3A_788 {strides = array<i32>} : memref<100000xf32, #tpu.memory_space<vmem>>, vector<16xf32>,
            }
            %scan3A_772 = arith.constant 88 : i32
          }
          %scan3A_751 = arith.constant 71 : i32
          %mul3A_752 = arith.constant 16 : i32
          %mul3A_753 = arith.muli %add3A, %mul3A_752 : i32
          %add3A_754 = arith.addi %mul3A_753, %scan3A_253 : i32
          %mul3A_755 = arith.constant 32 : i32
          %mul3A_756 = arith.muli %add3A_754, %mul3A_755 : i32
          "tpu.region"() ({
            %run_scoped3A = tpu.sem_alloc : memref<!tpu.dma_semaphore, #tpu.memory_space<semaphore_mem>>
            %dma_start3A = arith.constant 99968 : i32
            %dma_start3A_757 = tpu.memref_slice %arg10[%dma_start3A] : memref<100000xf32, #tpu.memory_space<vmem>> -> memref<32xf32, #tpu.memory_space<vmem>>
            %dma_start3A_758 = tpu.memref_slice %arg4[%mul3A_756] : memref<16384xf32, #tpu.memory_space<hbm>> -> memref<32xf32, #tpu.memory_space<hbm>>
            %dma_start3A_759 = arith.constant 99968 : i32
            %dma_start3A_760 = tpu.memref_slice %arg10[%dma_start3A_759] : memref<100000xf32, #tpu.memory_space<vmem>> -> memref<32xf32, #tpu.memory_space<vmem>>
            %dma_start3A_761 = tpu.memref_slice %arg4[%mul3A_756] : memref<16384xf32, #tpu.memory_space<hbm>> -> memref<32xf32, #tpu.memory_space<hbm>>
            tpu.enqueue_dma source(%dma_start3A_761 : memref<32xf32, #tpu.memory_space<hbm>>) target(%dma_start3A_760 : memref<32xf32, #tpu.memory_space<vmem>>) target_semaphore(%run_scoped3A : memref<!tpu.dma_semaphore, #tpu.memory_space<semaphore_mem>>)
            %dma_wait3A = arith.constant 99968 : i32
            %dma_wait3A_762 = tpu.memref_slice %arg10[%dma_wait3A] : memref<100000xf32, #tpu.memory_space<vmem>> -> memref<32xf32, #tpu.memory_space<vmem>>
            %dma_wait3A_763 = tpu.memref_slice %arg4[%mul3A_756] : memref<16384xf32, #tpu.memory_space<hbm>> -> memref<32xf32, #tpu.memory_space<hbm>>
            %dma_wait3A_764 = arith.constant 99968 : i32
            %dma_wait3A_765 = tpu.memref_slice %arg10[%dma_wait3A_764] : memref<100000xf32, #tpu.memory_space<vmem>> -> memref<32xf32, #tpu.memory_space<vmem>>
            %dma_wait3A_766 = tpu.memref_slice %arg4[%mul3A_756] : memref<16384xf32, #tpu.memory_space<hbm>> -> memref<32xf32, #tpu.memory_space<hbm>>
            tpu.wait_dma2 semaphore(%run_scoped3A : memref<!tpu.dma_semaphore, #tpu.memory_space<semaphore_mem>>) src(%dma_wait3A_766 : memref<32xf32, #tpu.memory_space<hbm>>) dst(%dma_wait3A_765 : memref<32xf32, #tpu.memory_space<vmem>>)
            tpu.yield
          }) : () -> ()
        } else {
        }
        %broadcast_in_dim3A_297 = arith.constant -3.400000e+38 : f32
        %broadcast_in_dim3A_298 = vector.broadcast %broadcast_in_dim3A_297 : f32 to vector<16xf32>
        %broadcast_in_dim3A_299 = arith.constant 0 : i32
        %broadcast_in_dim3A_300 = vector.broadcast %broadcast_in_dim3A_299 : i32 to vector<16xi32>
        %scan3A_301 = arith.constant 0 : i32
        %scan3A_302 = arith.constant 625 : i32
        %scan3A_303 = arith.addi %scan3A_301, %scan3A_302 : i32
        %scan3A_304 = arith.constant 1 : i32
        %scan3A_305:2 = scf.for %scan3A_694 = %scan3A_301 to %scan3A_303 step %scan3A_304 iter_args(%scan3A_695 = %broadcast_in_dim3A_298, %scan3A_696 = %broadcast_in_dim3A_300) -> (vector<16xf32>, vector<16xi32>)  : i32 {
          %mul3A_697 = arith.constant 160 : i32
          %mul3A_698 = arith.muli %scan3A_694, %mul3A_697 : i32
          %add3A_699 = arith.constant 0 : i32
          %add3A_700 = arith.addi %mul3A_698, %add3A_699 : i32
          %get3A_701 = arith.index_cast %add3A_700 : i32 to index
          %get3A_702 = tpu.vector_load %arg10[%get3A_701] {strides = array<i32>} : memref<100000xf32, #tpu.memory_space<vmem>>, vector<16xf32>,
          %get3A_703 = vector.shape_cast %get3A_702 : vector<16xf32> to vector<16xf32>
          %gt3A = arith.cmpf ogt, %get3A_703, %scan3A_695 : vector<16xf32>
          %add3A_704 = vector.broadcast %add3A_700 : i32 to vector<16xi32>
          %add3A_705 = arith.addi %iota3A, %add3A_704 : vector<16xi32>
          %select_n3A_706 = arith.select %gt3A, %get3A_703, %scan3A_695 : vector<16xi1>, vector<16xf32>
          %select_n3A_707 = arith.select %gt3A, %add3A_705, %scan3A_696 : vector<16xi1>, vector<16xi32>
          %mul3A_708 = arith.constant 160 : i32
          %mul3A_709 = arith.muli %scan3A_694, %mul3A_708 : i32
          %add3A_710 = arith.constant 16 : i32
          %add3A_711 = arith.addi %mul3A_709, %add3A_710 : i32
          %get3A_712 = arith.index_cast %add3A_711 : i32 to index
          %get3A_713 = tpu.vector_load %arg10[%get3A_712] {strides = array<i32>} : memref<100000xf32, #tpu.memory_space<vmem>>, vector<16xf32>,
          %get3A_714 = vector.shape_cast %get3A_713 : vector<16xf32> to vector<16xf32>
          %gt3A_715 = arith.cmpf ogt, %get3A_714, %select_n3A_706 : vector<16xf32>
          %add3A_716 = vector.broadcast %add3A_711 : i32 to vector<16xi32>
          %add3A_717 = arith.addi %iota3A, %add3A_716 : vector<16xi32>
          %select_n3A_718 = arith.select %gt3A_715, %get3A_714, %select_n3A_706 : vector<16xi1>, vector<16xf32>
          %select_n3A_719 = arith.select %gt3A_715, %add3A_717, %select_n3A_707 : vector<16xi1>, vector<16xi32>
          %mul3A_720 = arith.constant 160 : i32
          %mul3A_721 = arith.muli %scan3A_694, %mul3A_720 : i32
          %add3A_722 = arith.constant 32 : i32
          %add3A_723 = arith.addi %mul3A_721, %add3A_722 : i32
          %get3A_724 = arith.index_cast %add3A_723 : i32 to index
          %get3A_725 = tpu.vector_load %arg10[%get3A_724] {strides = array<i32>} : memref<100000xf32, #tpu.memory_space<vmem>>, vector<16xf32>,
          %get3A_726 = vector.shape_cast %get3A_725 : vector<16xf32> to vector<16xf32>
          %gt3A_727 = arith.cmpf ogt, %get3A_726, %select_n3A_718 : vector<16xf32>
          %add3A_728 = vector.broadcast %add3A_723 : i32 to vector<16xi32>
          %add3A_729 = arith.addi %iota3A, %add3A_728 : vector<16xi32>
          %select_n3A_730 = arith.select %gt3A_727, %get3A_726, %select_n3A_718 : vector<16xi1>, vector<16xf32>
          %select_n3A_731 = arith.select %gt3A_727, %add3A_729, %select_n3A_719 : vector<16xi1>, vector<16xi32>
          %mul3A_732 = arith.constant 160 : i32
          %mul3A_733 = arith.muli %scan3A_694, %mul3A_732 : i32
          %add3A_734 = arith.constant 48 : i32
          %add3A_735 = arith.addi %mul3A_733, %add3A_734 : i32
          %get3A_736 = arith.index_cast %add3A_735 : i32 to index
          %get3A_737 = tpu.vector_load %arg10[%get3A_736] {strides = array<i32>} : memref<100000xf32, #tpu.memory_space<vmem>>, vector<16xf32>,
          %get3A_738 = vector.shape_cast %get3A_737 : vector<16xf32> to vector<16xf32>
          %gt3A_739 = arith.cmpf ogt, %get3A_738, %select_n3A_730 : vector<16xf32>
          %add3A_740 = vector.broadcast %add3A_735 : i32 to vector<16xi32>
          %add3A_741 = arith.addi %iota3A, %add3A_740 : vector<16xi32>
          %select_n3A_742 = arith.select %gt3A_739, %get3A_738, %select_n3A_730 : vector<16xi1>, vector<16xf32>
          %select_n3A_743 = arith.select %gt3A_739, %add3A_741, %select_n3A_731 : vector<16xi1>, vector<16xi32>
          %mul3A_744 = arith.constant 160 : i32
          %mul3A_745 = arith.muli %scan3A_694, %mul3A_744 : i32
          %add3A_746 = arith.constant 64 : i32
          %add3A_747 = arith.addi %mul3A_745, %add3A_746 : i32
          %get3A_748 = arith.index_cast %add3A_747 : i32 to index
          %get3A_749 = tpu.vector_load %arg10[%get3A_748] {strides = array<i32>} : memref<100000xf32, #tpu.memory_space<vmem>>, vector<16xf32>,
          %get3A_750 = vector.shape_cast %get3A_749 : vector<16xf32> to vector<16xf32>
          %gt3A_751 = arith.cmpf ogt, %get3A_750, %select_n3A_742 : vector<16xf32>
          %add3A_752 = vector.broadcast %add3A_747 : i32 to vector<16xi32>
          %add3A_753 = arith.addi %iota3A, %add3A_752 : vector<16xi32>
          %select_n3A_754 = arith.select %gt3A_751, %get3A_750, %select_n3A_742 : vector<16xi1>, vector<16xf32>
          %select_n3A_755 = arith.select %gt3A_751, %add3A_753, %select_n3A_743 : vector<16xi1>, vector<16xi32>
          %mul3A_756 = arith.constant 160 : i32
          %mul3A_757 = arith.muli %scan3A_694, %mul3A_756 : i32
          %add3A_758 = arith.constant 80 : i32
          %add3A_759 = arith.addi %mul3A_757, %add3A_758 : i32
          %get3A_760 = arith.index_cast %add3A_759 : i32 to index
          %get3A_761 = tpu.vector_load %arg10[%get3A_760] {strides = array<i32>} : memref<100000xf32, #tpu.memory_space<vmem>>, vector<16xf32>,
          %get3A_762 = vector.shape_cast %get3A_761 : vector<16xf32> to vector<16xf32>
          %gt3A_763 = arith.cmpf ogt, %get3A_762, %select_n3A_754 : vector<16xf32>
          %add3A_764 = vector.broadcast %add3A_759 : i32 to vector<16xi32>
          %add3A_765 = arith.addi %iota3A, %add3A_764 : vector<16xi32>
          %select_n3A_766 = arith.select %gt3A_763, %get3A_762, %select_n3A_754 : vector<16xi1>, vector<16xf32>
          %select_n3A_767 = arith.select %gt3A_763, %add3A_765, %select_n3A_755 : vector<16xi1>, vector<16xi32>
          %mul3A_768 = arith.constant 160 : i32
          %mul3A_769 = arith.muli %scan3A_694, %mul3A_768 : i32
          %add3A_770 = arith.constant 96 : i32
          %add3A_771 = arith.addi %mul3A_769, %add3A_770 : i32
          %get3A_772 = arith.index_cast %add3A_771 : i32 to index
          %get3A_773 = tpu.vector_load %arg10[%get3A_772] {strides = array<i32>} : memref<100000xf32, #tpu.memory_space<vmem>>, vector<16xf32>,
          %get3A_774 = vector.shape_cast %get3A_773 : vector<16xf32> to vector<16xf32>
          %gt3A_775 = arith.cmpf ogt, %get3A_774, %select_n3A_766 : vector<16xf32>
          %add3A_776 = vector.broadcast %add3A_771 : i32 to vector<16xi32>
          %add3A_777 = arith.addi %iota3A, %add3A_776 : vector<16xi32>
          %select_n3A_778 = arith.select %gt3A_775, %get3A_774, %select_n3A_766 : vector<16xi1>, vector<16xf32>
          %select_n3A_779 = arith.select %gt3A_775, %add3A_777, %select_n3A_767 : vector<16xi1>, vector<16xi32>
          %mul3A_780 = arith.constant 160 : i32
          %mul3A_781 = arith.muli %scan3A_694, %mul3A_780 : i32
          %add3A_782 = arith.constant 112 : i32
          %add3A_783 = arith.addi %mul3A_781, %add3A_782 : i32
          %get3A_784 = arith.index_cast %add3A_783 : i32 to index
          %get3A_785 = tpu.vector_load %arg10[%get3A_784] {strides = array<i32>} : memref<100000xf32, #tpu.memory_space<vmem>>, vector<16xf32>,
          %get3A_786 = vector.shape_cast %get3A_785 : vector<16xf32> to vector<16xf32>
          %gt3A_787 = arith.cmpf ogt, %get3A_786, %select_n3A_778 : vector<16xf32>
          %add3A_788 = vector.broadcast %add3A_783 : i32 to vector<16xi32>
          %add3A_789 = arith.addi %iota3A, %add3A_788 : vector<16xi32>
          %select_n3A_790 = arith.select %gt3A_787, %get3A_786, %select_n3A_778 : vector<16xi1>, vector<16xf32>
          %select_n3A_791 = arith.select %gt3A_787, %add3A_789, %select_n3A_779 : vector<16xi1>, vector<16xi32>
          %mul3A_792 = arith.constant 160 : i32
          %mul3A_793 = arith.muli %scan3A_694, %mul3A_792 : i32
          %add3A_794 = arith.constant 128 : i32
          %add3A_795 = arith.addi %mul3A_793, %add3A_794 : i32
          %get3A_796 = arith.index_cast %add3A_795 : i32 to index
          %get3A_797 = tpu.vector_load %arg10[%get3A_796] {strides = array<i32>} : memref<100000xf32, #tpu.memory_space<vmem>>, vector<16xf32>,
          %get3A_798 = vector.shape_cast %get3A_797 : vector<16xf32> to vector<16xf32>
          %gt3A_799 = arith.cmpf ogt, %get3A_798, %select_n3A_790 : vector<16xf32>
          %add3A_800 = vector.broadcast %add3A_795 : i32 to vector<16xi32>
          %add3A_801 = arith.addi %iota3A, %add3A_800 : vector<16xi32>
          %select_n3A_802 = arith.select %gt3A_799, %get3A_798, %select_n3A_790 : vector<16xi1>, vector<16xf32>
          %select_n3A_803 = arith.select %gt3A_799, %add3A_801, %select_n3A_791 : vector<16xi1>, vector<16xi32>
          %mul3A_804 = arith.constant 160 : i32
          %mul3A_805 = arith.muli %scan3A_694, %mul3A_804 : i32
          %add3A_806 = arith.constant 144 : i32
          %add3A_807 = arith.addi %mul3A_805, %add3A_806 : i32
          %get3A_808 = arith.index_cast %add3A_807 : i32 to index
          %get3A_809 = tpu.vector_load %arg10[%get3A_808] {strides = array<i32>} : memref<100000xf32, #tpu.memory_space<vmem>>, vector<16xf32>,
          %get3A_810 = vector.shape_cast %get3A_809 : vector<16xf32> to vector<16xf32>
          %gt3A_811 = arith.cmpf ogt, %get3A_810, %select_n3A_802 : vector<16xf32>
          %add3A_812 = vector.broadcast %add3A_807 : i32 to vector<16xi32>
          %add3A_813 = arith.addi %iota3A, %add3A_812 : vector<16xi32>
          %select_n3A_814 = arith.select %gt3A_811, %get3A_810, %select_n3A_802 : vector<16xi1>, vector<16xf32>
          %select_n3A_815 = arith.select %gt3A_811, %add3A_813, %select_n3A_803 : vector<16xi1>, vector<16xi32>
          scf.yield %select_n3A_814, %select_n3A_815 : vector<16xf32>, vector<16xi32>
        }
        %scan3A_306 = arith.constant 625 : i32
        %add3A_307 = arith.constant 1 : i32
        %add3A_308 = vector.broadcast %add3A_307 : i32 to vector<16xi32>
        %add3A_309 = arith.addi %iota3A, %add3A_308 : vector<16xi32>
        %jit3A_310 = arith.constant 16 : i32
        %eq3A_311 = arith.constant 0 : i32
        %eq3A_312 = arith.cmpi eq, %jit3A_310, %eq3A_311 : i32
        %jit3A_313 = arith.constant 1 : i32
        %select_n3A_314 = arith.select %eq3A_312, %jit3A_313, %jit3A_310 : i32
        %rem3A_315 = vector.broadcast %select_n3A_314 : i32 to vector<16xi32>
        %rem3A_316 = arith.remsi %add3A_309, %rem3A_315 : vector<16xi32>
        %ne3A_317 = arith.constant 0 : i32
        %ne3A_318 = vector.broadcast %ne3A_317 : i32 to vector<16xi32>
        %ne3A_319 = arith.cmpi ne, %rem3A_316, %ne3A_318 : vector<16xi32>
        %lt3A_320 = arith.constant 0 : i32
        %lt3A_321 = vector.broadcast %lt3A_320 : i32 to vector<16xi32>
        %lt3A_322 = arith.cmpi slt, %rem3A_316, %lt3A_321 : vector<16xi32>
        %lt3A_323 = arith.constant 0 : i32
        %lt3A_324 = arith.cmpi slt, %select_n3A_314, %lt3A_323 : i32
        %ne3A_325 = vector.broadcast %lt3A_324 : i1 to vector<16xi1>
        %ne3A_326 = vector.broadcast %ne3A_325 : vector<16xi1> to vector<16xi1>
        %ne3A_327 = arith.xori %lt3A_322, %ne3A_326 : vector<16xi1>
        %and3A_328 = arith.andi %ne3A_327, %ne3A_319 : vector<16xi1>
        %add3A_329 = vector.broadcast %select_n3A_314 : i32 to vector<16xi32>
        %add3A_330 = arith.addi %rem3A_316, %add3A_329 : vector<16xi32>
        %select_n3A_331 = arith.select %and3A_328, %add3A_330, %rem3A_316 : vector<16xi1>, vector<16xi32>
        %broadcast_in_dim3A_332 = vector.shape_cast %select_n3A_331 : vector<16xi32> to vector<16x1xi32>
        %gather3A_333 = vector.shape_cast %broadcast_in_dim3A_332 : vector<16x1xi32> to vector<16xi32>
        %gather3A_334 = tpu.dynamic_gather %scan3A_305#0[%gather3A_333] in [0] : vector<16xf32>, vector<16xi32> -> vector<16xf32>
        %max3A_335 = arith.maximumf %scan3A_305#0, %gather3A_334 : vector<16xf32>
        %add3A_336 = arith.constant 2 : i32
        %add3A_337 = vector.broadcast %add3A_336 : i32 to vector<16xi32>
        %add3A_338 = arith.addi %iota3A, %add3A_337 : vector<16xi32>
        %jit3A_339 = arith.constant 16 : i32
        %eq3A_340 = arith.constant 0 : i32
        %eq3A_341 = arith.cmpi eq, %jit3A_339, %eq3A_340 : i32
        %jit3A_342 = arith.constant 1 : i32
        %select_n3A_343 = arith.select %eq3A_341, %jit3A_342, %jit3A_339 : i32
        %rem3A_344 = vector.broadcast %select_n3A_343 : i32 to vector<16xi32>
        %rem3A_345 = arith.remsi %add3A_338, %rem3A_344 : vector<16xi32>
        %ne3A_346 = arith.constant 0 : i32
        %ne3A_347 = vector.broadcast %ne3A_346 : i32 to vector<16xi32>
        %ne3A_348 = arith.cmpi ne, %rem3A_345, %ne3A_347 : vector<16xi32>
        %lt3A_349 = arith.constant 0 : i32
        %lt3A_350 = vector.broadcast %lt3A_349 : i32 to vector<16xi32>
        %lt3A_351 = arith.cmpi slt, %rem3A_345, %lt3A_350 : vector<16xi32>
        %lt3A_352 = arith.constant 0 : i32
        %lt3A_353 = arith.cmpi slt, %select_n3A_343, %lt3A_352 : i32
        %ne3A_354 = vector.broadcast %lt3A_353 : i1 to vector<16xi1>
        %ne3A_355 = vector.broadcast %ne3A_354 : vector<16xi1> to vector<16xi1>
        %ne3A_356 = arith.xori %lt3A_351, %ne3A_355 : vector<16xi1>
        %and3A_357 = arith.andi %ne3A_356, %ne3A_348 : vector<16xi1>
        %add3A_358 = vector.broadcast %select_n3A_343 : i32 to vector<16xi32>
        %add3A_359 = arith.addi %rem3A_345, %add3A_358 : vector<16xi32>
        %select_n3A_360 = arith.select %and3A_357, %add3A_359, %rem3A_345 : vector<16xi1>, vector<16xi32>
        %broadcast_in_dim3A_361 = vector.shape_cast %select_n3A_360 : vector<16xi32> to vector<16x1xi32>
        %gather3A_362 = vector.shape_cast %broadcast_in_dim3A_361 : vector<16x1xi32> to vector<16xi32>
        %gather3A_363 = tpu.dynamic_gather %max3A_335[%gather3A_362] in [0] : vector<16xf32>, vector<16xi32> -> vector<16xf32>
        %max3A_364 = arith.maximumf %max3A_335, %gather3A_363 : vector<16xf32>
        %add3A_365 = arith.constant 4 : i32
        %add3A_366 = vector.broadcast %add3A_365 : i32 to vector<16xi32>
        %add3A_367 = arith.addi %iota3A, %add3A_366 : vector<16xi32>
        %jit3A_368 = arith.constant 16 : i32
        %eq3A_369 = arith.constant 0 : i32
        %eq3A_370 = arith.cmpi eq, %jit3A_368, %eq3A_369 : i32
        %jit3A_371 = arith.constant 1 : i32
        %select_n3A_372 = arith.select %eq3A_370, %jit3A_371, %jit3A_368 : i32
        %rem3A_373 = vector.broadcast %select_n3A_372 : i32 to vector<16xi32>
        %rem3A_374 = arith.remsi %add3A_367, %rem3A_373 : vector<16xi32>
        %ne3A_375 = arith.constant 0 : i32
        %ne3A_376 = vector.broadcast %ne3A_375 : i32 to vector<16xi32>
        %ne3A_377 = arith.cmpi ne, %rem3A_374, %ne3A_376 : vector<16xi32>
        %lt3A_378 = arith.constant 0 : i32
        %lt3A_379 = vector.broadcast %lt3A_378 : i32 to vector<16xi32>
        %lt3A_380 = arith.cmpi slt, %rem3A_374, %lt3A_379 : vector<16xi32>
        %lt3A_381 = arith.constant 0 : i32
        %lt3A_382 = arith.cmpi slt, %select_n3A_372, %lt3A_381 : i32
        %ne3A_383 = vector.broadcast %lt3A_382 : i1 to vector<16xi1>
        %ne3A_384 = vector.broadcast %ne3A_383 : vector<16xi1> to vector<16xi1>
        %ne3A_385 = arith.xori %lt3A_380, %ne3A_384 : vector<16xi1>
        %and3A_386 = arith.andi %ne3A_385, %ne3A_377 : vector<16xi1>
        %add3A_387 = vector.broadcast %select_n3A_372 : i32 to vector<16xi32>
        %add3A_388 = arith.addi %rem3A_374, %add3A_387 : vector<16xi32>
        %select_n3A_389 = arith.select %and3A_386, %add3A_388, %rem3A_374 : vector<16xi1>, vector<16xi32>
        %broadcast_in_dim3A_390 = vector.shape_cast %select_n3A_389 : vector<16xi32> to vector<16x1xi32>
        %gather3A_391 = vector.shape_cast %broadcast_in_dim3A_390 : vector<16x1xi32> to vector<16xi32>
        %gather3A_392 = tpu.dynamic_gather %max3A_364[%gather3A_391] in [0] : vector<16xf32>, vector<16xi32> -> vector<16xf32>
        %max3A_393 = arith.maximumf %max3A_364, %gather3A_392 : vector<16xf32>
        %add3A_394 = arith.constant 8 : i32
        %add3A_395 = vector.broadcast %add3A_394 : i32 to vector<16xi32>
        %add3A_396 = arith.addi %iota3A, %add3A_395 : vector<16xi32>
        %jit3A_397 = arith.constant 16 : i32
        %eq3A_398 = arith.constant 0 : i32
        %eq3A_399 = arith.cmpi eq, %jit3A_397, %eq3A_398 : i32
        %jit3A_400 = arith.constant 1 : i32
        %select_n3A_401 = arith.select %eq3A_399, %jit3A_400, %jit3A_397 : i32
        %rem3A_402 = vector.broadcast %select_n3A_401 : i32 to vector<16xi32>
        %rem3A_403 = arith.remsi %add3A_396, %rem3A_402 : vector<16xi32>
        %ne3A_404 = arith.constant 0 : i32
        %ne3A_405 = vector.broadcast %ne3A_404 : i32 to vector<16xi32>
        %ne3A_406 = arith.cmpi ne, %rem3A_403, %ne3A_405 : vector<16xi32>
        %lt3A_407 = arith.constant 0 : i32
        %lt3A_408 = vector.broadcast %lt3A_407 : i32 to vector<16xi32>
        %lt3A_409 = arith.cmpi slt, %rem3A_403, %lt3A_408 : vector<16xi32>
        %lt3A_410 = arith.constant 0 : i32
        %lt3A_411 = arith.cmpi slt, %select_n3A_401, %lt3A_410 : i32
        %ne3A_412 = vector.broadcast %lt3A_411 : i1 to vector<16xi1>
        %ne3A_413 = vector.broadcast %ne3A_412 : vector<16xi1> to vector<16xi1>
        %ne3A_414 = arith.xori %lt3A_409, %ne3A_413 : vector<16xi1>
        %and3A_415 = arith.andi %ne3A_414, %ne3A_406 : vector<16xi1>
        %add3A_416 = vector.broadcast %select_n3A_401 : i32 to vector<16xi32>
        %add3A_417 = arith.addi %rem3A_403, %add3A_416 : vector<16xi32>
        %select_n3A_418 = arith.select %and3A_415, %add3A_417, %rem3A_403 : vector<16xi1>, vector<16xi32>
        %broadcast_in_dim3A_419 = vector.shape_cast %select_n3A_418 : vector<16xi32> to vector<16x1xi32>
        %gather3A_420 = vector.shape_cast %broadcast_in_dim3A_419 : vector<16x1xi32> to vector<16xi32>
        %gather3A_421 = tpu.dynamic_gather %max3A_393[%gather3A_420] in [0] : vector<16xf32>, vector<16xi32> -> vector<16xf32>
        %max3A_422 = arith.maximumf %max3A_393, %gather3A_421 : vector<16xf32>
        %sub3A_423 = arith.subf %max3A_422, %scan3A_305#0 : vector<16xf32>
        %mul3A_424 = arith.constant 9.99999968E+37 : f32
        %mul3A_425 = vector.broadcast %mul3A_424 : f32 to vector<16xf32>
        %mul3A_426 = arith.mulf %sub3A_423, %mul3A_425 : vector<16xf32>
        %min3A_427 = arith.constant 1.000000e+00 : f32
        %min3A_428 = vector.broadcast %min3A_427 : f32 to vector<16xf32>
        %min3A_429 = arith.minimumf %mul3A_426, %min3A_428 : vector<16xf32>
        %convert_element_type3A_430 = arith.sitofp %scan3A_305#1 : vector<16xi32> to vector<16xf32>
        %sub3A_431 = arith.constant 0x49800000 : f32
        %sub3A_432 = vector.broadcast %sub3A_431 : f32 to vector<16xf32>
        %sub3A_433 = arith.subf %sub3A_432, %convert_element_type3A_430 : vector<16xf32>
        %mul3A_434 = arith.mulf %min3A_429, %sub3A_433 : vector<16xf32>
        %add3A_435 = arith.addf %convert_element_type3A_430, %mul3A_434 : vector<16xf32>
        %add3A_436 = arith.constant 1 : i32
        %add3A_437 = vector.broadcast %add3A_436 : i32 to vector<16xi32>
        %add3A_438 = arith.addi %iota3A, %add3A_437 : vector<16xi32>
        %jit3A_439 = arith.constant 16 : i32
        %eq3A_440 = arith.constant 0 : i32
        %eq3A_441 = arith.cmpi eq, %jit3A_439, %eq3A_440 : i32
        %jit3A_442 = arith.constant 1 : i32
        %select_n3A_443 = arith.select %eq3A_441, %jit3A_442, %jit3A_439 : i32
        %rem3A_444 = vector.broadcast %select_n3A_443 : i32 to vector<16xi32>
        %rem3A_445 = arith.remsi %add3A_438, %rem3A_444 : vector<16xi32>
        %ne3A_446 = arith.constant 0 : i32
        %ne3A_447 = vector.broadcast %ne3A_446 : i32 to vector<16xi32>
        %ne3A_448 = arith.cmpi ne, %rem3A_445, %ne3A_447 : vector<16xi32>
        %lt3A_449 = arith.constant 0 : i32
        %lt3A_450 = vector.broadcast %lt3A_449 : i32 to vector<16xi32>
        %lt3A_451 = arith.cmpi slt, %rem3A_445, %lt3A_450 : vector<16xi32>
        %lt3A_452 = arith.constant 0 : i32
        %lt3A_453 = arith.cmpi slt, %select_n3A_443, %lt3A_452 : i32
        %ne3A_454 = vector.broadcast %lt3A_453 : i1 to vector<16xi1>
        %ne3A_455 = vector.broadcast %ne3A_454 : vector<16xi1> to vector<16xi1>
        %ne3A_456 = arith.xori %lt3A_451, %ne3A_455 : vector<16xi1>
        %and3A_457 = arith.andi %ne3A_456, %ne3A_448 : vector<16xi1>
        %add3A_458 = vector.broadcast %select_n3A_443 : i32 to vector<16xi32>
        %add3A_459 = arith.addi %rem3A_445, %add3A_458 : vector<16xi32>
        %select_n3A_460 = arith.select %and3A_457, %add3A_459, %rem3A_445 : vector<16xi1>, vector<16xi32>
        %broadcast_in_dim3A_461 = vector.shape_cast %select_n3A_460 : vector<16xi32> to vector<16x1xi32>
        %gather3A_462 = vector.shape_cast %broadcast_in_dim3A_461 : vector<16x1xi32> to vector<16xi32>
        %gather3A_463 = tpu.dynamic_gather %add3A_435[%gather3A_462] in [0] : vector<16xf32>, vector<16xi32> -> vector<16xf32>
        %min3A_464 = arith.minimumf %add3A_435, %gather3A_463 : vector<16xf32>
        %add3A_465 = arith.constant 2 : i32
        %add3A_466 = vector.broadcast %add3A_465 : i32 to vector<16xi32>
        %add3A_467 = arith.addi %iota3A, %add3A_466 : vector<16xi32>
        %jit3A_468 = arith.constant 16 : i32
        %eq3A_469 = arith.constant 0 : i32
        %eq3A_470 = arith.cmpi eq, %jit3A_468, %eq3A_469 : i32
        %jit3A_471 = arith.constant 1 : i32
        %select_n3A_472 = arith.select %eq3A_470, %jit3A_471, %jit3A_468 : i32
        %rem3A_473 = vector.broadcast %select_n3A_472 : i32 to vector<16xi32>
        %rem3A_474 = arith.remsi %add3A_467, %rem3A_473 : vector<16xi32>
        %ne3A_475 = arith.constant 0 : i32
        %ne3A_476 = vector.broadcast %ne3A_475 : i32 to vector<16xi32>
        %ne3A_477 = arith.cmpi ne, %rem3A_474, %ne3A_476 : vector<16xi32>
        %lt3A_478 = arith.constant 0 : i32
        %lt3A_479 = vector.broadcast %lt3A_478 : i32 to vector<16xi32>
        %lt3A_480 = arith.cmpi slt, %rem3A_474, %lt3A_479 : vector<16xi32>
        %lt3A_481 = arith.constant 0 : i32
        %lt3A_482 = arith.cmpi slt, %select_n3A_472, %lt3A_481 : i32
        %ne3A_483 = vector.broadcast %lt3A_482 : i1 to vector<16xi1>
        %ne3A_484 = vector.broadcast %ne3A_483 : vector<16xi1> to vector<16xi1>
        %ne3A_485 = arith.xori %lt3A_480, %ne3A_484 : vector<16xi1>
        %and3A_486 = arith.andi %ne3A_485, %ne3A_477 : vector<16xi1>
        %add3A_487 = vector.broadcast %select_n3A_472 : i32 to vector<16xi32>
        %add3A_488 = arith.addi %rem3A_474, %add3A_487 : vector<16xi32>
        %select_n3A_489 = arith.select %and3A_486, %add3A_488, %rem3A_474 : vector<16xi1>, vector<16xi32>
        %broadcast_in_dim3A_490 = vector.shape_cast %select_n3A_489 : vector<16xi32> to vector<16x1xi32>
        %gather3A_491 = vector.shape_cast %broadcast_in_dim3A_490 : vector<16x1xi32> to vector<16xi32>
        %gather3A_492 = tpu.dynamic_gather %min3A_464[%gather3A_491] in [0] : vector<16xf32>, vector<16xi32> -> vector<16xf32>
        %min3A_493 = arith.minimumf %min3A_464, %gather3A_492 : vector<16xf32>
        %add3A_494 = arith.constant 4 : i32
        %add3A_495 = vector.broadcast %add3A_494 : i32 to vector<16xi32>
        %add3A_496 = arith.addi %iota3A, %add3A_495 : vector<16xi32>
        %jit3A_497 = arith.constant 16 : i32
        %eq3A_498 = arith.constant 0 : i32
        %eq3A_499 = arith.cmpi eq, %jit3A_497, %eq3A_498 : i32
        %jit3A_500 = arith.constant 1 : i32
        %select_n3A_501 = arith.select %eq3A_499, %jit3A_500, %jit3A_497 : i32
        %rem3A_502 = vector.broadcast %select_n3A_501 : i32 to vector<16xi32>
        %rem3A_503 = arith.remsi %add3A_496, %rem3A_502 : vector<16xi32>
        %ne3A_504 = arith.constant 0 : i32
        %ne3A_505 = vector.broadcast %ne3A_504 : i32 to vector<16xi32>
        %ne3A_506 = arith.cmpi ne, %rem3A_503, %ne3A_505 : vector<16xi32>
        %lt3A_507 = arith.constant 0 : i32
        %lt3A_508 = vector.broadcast %lt3A_507 : i32 to vector<16xi32>
        %lt3A_509 = arith.cmpi slt, %rem3A_503, %lt3A_508 : vector<16xi32>
        %lt3A_510 = arith.constant 0 : i32
        %lt3A_511 = arith.cmpi slt, %select_n3A_501, %lt3A_510 : i32
        %ne3A_512 = vector.broadcast %lt3A_511 : i1 to vector<16xi1>
        %ne3A_513 = vector.broadcast %ne3A_512 : vector<16xi1> to vector<16xi1>
        %ne3A_514 = arith.xori %lt3A_509, %ne3A_513 : vector<16xi1>
        %and3A_515 = arith.andi %ne3A_514, %ne3A_506 : vector<16xi1>
        %add3A_516 = vector.broadcast %select_n3A_501 : i32 to vector<16xi32>
        %add3A_517 = arith.addi %rem3A_503, %add3A_516 : vector<16xi32>
        %select_n3A_518 = arith.select %and3A_515, %add3A_517, %rem3A_503 : vector<16xi1>, vector<16xi32>
        %broadcast_in_dim3A_519 = vector.shape_cast %select_n3A_518 : vector<16xi32> to vector<16x1xi32>
        %gather3A_520 = vector.shape_cast %broadcast_in_dim3A_519 : vector<16x1xi32> to vector<16xi32>
        %gather3A_521 = tpu.dynamic_gather %min3A_493[%gather3A_520] in [0] : vector<16xf32>, vector<16xi32> -> vector<16xf32>
        %min3A_522 = arith.minimumf %min3A_493, %gather3A_521 : vector<16xf32>
        %add3A_523 = arith.constant 8 : i32
        %add3A_524 = vector.broadcast %add3A_523 : i32 to vector<16xi32>
        %add3A_525 = arith.addi %iota3A, %add3A_524 : vector<16xi32>
        %jit3A_526 = arith.constant 16 : i32
        %eq3A_527 = arith.constant 0 : i32
        %eq3A_528 = arith.cmpi eq, %jit3A_526, %eq3A_527 : i32
        %jit3A_529 = arith.constant 1 : i32
        %select_n3A_530 = arith.select %eq3A_528, %jit3A_529, %jit3A_526 : i32
        %rem3A_531 = vector.broadcast %select_n3A_530 : i32 to vector<16xi32>
        %rem3A_532 = arith.remsi %add3A_525, %rem3A_531 : vector<16xi32>
        %ne3A_533 = arith.constant 0 : i32
        %ne3A_534 = vector.broadcast %ne3A_533 : i32 to vector<16xi32>
        %ne3A_535 = arith.cmpi ne, %rem3A_532, %ne3A_534 : vector<16xi32>
        %lt3A_536 = arith.constant 0 : i32
        %lt3A_537 = vector.broadcast %lt3A_536 : i32 to vector<16xi32>
        %lt3A_538 = arith.cmpi slt, %rem3A_532, %lt3A_537 : vector<16xi32>
        %lt3A_539 = arith.constant 0 : i32
        %lt3A_540 = arith.cmpi slt, %select_n3A_530, %lt3A_539 : i32
        %ne3A_541 = vector.broadcast %lt3A_540 : i1 to vector<16xi1>
        %ne3A_542 = vector.broadcast %ne3A_541 : vector<16xi1> to vector<16xi1>
        %ne3A_543 = arith.xori %lt3A_538, %ne3A_542 : vector<16xi1>
        %and3A_544 = arith.andi %ne3A_543, %ne3A_535 : vector<16xi1>
        %add3A_545 = vector.broadcast %select_n3A_530 : i32 to vector<16xi32>
        %add3A_546 = arith.addi %rem3A_532, %add3A_545 : vector<16xi32>
        %select_n3A_547 = arith.select %and3A_544, %add3A_546, %rem3A_532 : vector<16xi1>, vector<16xi32>
        %broadcast_in_dim3A_548 = vector.shape_cast %select_n3A_547 : vector<16xi32> to vector<16x1xi32>
        %gather3A_549 = vector.shape_cast %broadcast_in_dim3A_548 : vector<16x1xi32> to vector<16xi32>
        %gather3A_550 = tpu.dynamic_gather %min3A_522[%gather3A_549] in [0] : vector<16xf32>, vector<16xi32> -> vector<16xf32>
        %min3A_551 = arith.minimumf %min3A_522, %gather3A_550 : vector<16xf32>
        %convert_element_type3A_552 = arith.fptosi %min3A_551 : vector<16xf32> to vector<16xi32>
        %swap3A_553 = arith.constant 0 : index
        %swap3A_554 = tpu.vector_load %arg14[%swap3A_553] {strides = array<i32>} : memref<16xi32, #tpu.memory_space<vmem>>, vector<16xi32>,
        %swap3A_555 = vector.shape_cast %swap3A_554 : vector<16xi32> to vector<16xi32>
        %swap3A_556 = vector.shape_cast %convert_element_type3A_552 : vector<16xi32> to vector<16xi32>
        tpu.vector_store %arg14[%swap3A_553], %swap3A_556 {strides = array<i32>} : memref<16xi32, #tpu.memory_space<vmem>>, vector<16xi32>,
        %add3A_557 = arith.constant 1 : i32
        %add3A_558 = arith.addi %scan3A_253, %add3A_557 : i32
        %sub3A_559 = vector.broadcast %add3A_558 : i32 to vector<16xi32>
        %sub3A_560 = arith.subi %iota3A, %sub3A_559 : vector<16xi32>
        %abs3A_561 = math.absi %sub3A_560 : vector<16xi32>
        %min3A_562 = arith.constant 1 : i32
        %min3A_563 = vector.broadcast %min3A_562 : i32 to vector<16xi32>
        %min3A_564 = arith.minsi %abs3A_561, %min3A_563 : vector<16xi32>
        %sub3A_565 = arith.constant 1 : i32
        %sub3A_566 = vector.broadcast %sub3A_565 : i32 to vector<16xi32>
        %sub3A_567 = arith.subi %sub3A_566, %min3A_564 : vector<16xi32>
        %mul3A_568 = arith.muli %get3A_143, %sub3A_567 : vector<16xi32>
        %add3A_569 = arith.constant 1 : i32
        %add3A_570 = vector.broadcast %add3A_569 : i32 to vector<16xi32>
        %add3A_571 = arith.addi %iota3A, %add3A_570 : vector<16xi32>
        %jit3A_572 = arith.constant 16 : i32
        %eq3A_573 = arith.constant 0 : i32
        %eq3A_574 = arith.cmpi eq, %jit3A_572, %eq3A_573 : i32
        %jit3A_575 = arith.constant 1 : i32
        %select_n3A_576 = arith.select %eq3A_574, %jit3A_575, %jit3A_572 : i32
        %rem3A_577 = vector.broadcast %select_n3A_576 : i32 to vector<16xi32>
        %rem3A_578 = arith.remsi %add3A_571, %rem3A_577 : vector<16xi32>
        %ne3A_579 = arith.constant 0 : i32
        %ne3A_580 = vector.broadcast %ne3A_579 : i32 to vector<16xi32>
        %ne3A_581 = arith.cmpi ne, %rem3A_578, %ne3A_580 : vector<16xi32>
        %lt3A_582 = arith.constant 0 : i32
        %lt3A_583 = vector.broadcast %lt3A_582 : i32 to vector<16xi32>
        %lt3A_584 = arith.cmpi slt, %rem3A_578, %lt3A_583 : vector<16xi32>
        %lt3A_585 = arith.constant 0 : i32
        %lt3A_586 = arith.cmpi slt, %select_n3A_576, %lt3A_585 : i32
        %ne3A_587 = vector.broadcast %lt3A_586 : i1 to vector<16xi1>
        %ne3A_588 = vector.broadcast %ne3A_587 : vector<16xi1> to vector<16xi1>
        %ne3A_589 = arith.xori %lt3A_584, %ne3A_588 : vector<16xi1>
        %and3A_590 = arith.andi %ne3A_589, %ne3A_581 : vector<16xi1>
        %add3A_591 = vector.broadcast %select_n3A_576 : i32 to vector<16xi32>
        %add3A_592 = arith.addi %rem3A_578, %add3A_591 : vector<16xi32>
        %select_n3A_593 = arith.select %and3A_590, %add3A_592, %rem3A_578 : vector<16xi1>, vector<16xi32>
        %broadcast_in_dim3A_594 = vector.shape_cast %select_n3A_593 : vector<16xi32> to vector<16x1xi32>
        %gather3A_595 = vector.shape_cast %broadcast_in_dim3A_594 : vector<16x1xi32> to vector<16xi32>
        %gather3A_596 = tpu.dynamic_gather %mul3A_568[%gather3A_595] in [0] : vector<16xi32>, vector<16xi32> -> vector<16xi32>
        %add3A_597 = arith.addi %mul3A_568, %gather3A_596 : vector<16xi32>
        %add3A_598 = arith.constant 2 : i32
        %add3A_599 = vector.broadcast %add3A_598 : i32 to vector<16xi32>
        %add3A_600 = arith.addi %iota3A, %add3A_599 : vector<16xi32>
        %jit3A_601 = arith.constant 16 : i32
        %eq3A_602 = arith.constant 0 : i32
        %eq3A_603 = arith.cmpi eq, %jit3A_601, %eq3A_602 : i32
        %jit3A_604 = arith.constant 1 : i32
        %select_n3A_605 = arith.select %eq3A_603, %jit3A_604, %jit3A_601 : i32
        %rem3A_606 = vector.broadcast %select_n3A_605 : i32 to vector<16xi32>
        %rem3A_607 = arith.remsi %add3A_600, %rem3A_606 : vector<16xi32>
        %ne3A_608 = arith.constant 0 : i32
        %ne3A_609 = vector.broadcast %ne3A_608 : i32 to vector<16xi32>
        %ne3A_610 = arith.cmpi ne, %rem3A_607, %ne3A_609 : vector<16xi32>
        %lt3A_611 = arith.constant 0 : i32
        %lt3A_612 = vector.broadcast %lt3A_611 : i32 to vector<16xi32>
        %lt3A_613 = arith.cmpi slt, %rem3A_607, %lt3A_612 : vector<16xi32>
        %lt3A_614 = arith.constant 0 : i32
        %lt3A_615 = arith.cmpi slt, %select_n3A_605, %lt3A_614 : i32
        %ne3A_616 = vector.broadcast %lt3A_615 : i1 to vector<16xi1>
        %ne3A_617 = vector.broadcast %ne3A_616 : vector<16xi1> to vector<16xi1>
        %ne3A_618 = arith.xori %lt3A_613, %ne3A_617 : vector<16xi1>
        %and3A_619 = arith.andi %ne3A_618, %ne3A_610 : vector<16xi1>
        %add3A_620 = vector.broadcast %select_n3A_605 : i32 to vector<16xi32>
        %add3A_621 = arith.addi %rem3A_607, %add3A_620 : vector<16xi32>
        %select_n3A_622 = arith.select %and3A_619, %add3A_621, %rem3A_607 : vector<16xi1>, vector<16xi32>
        %broadcast_in_dim3A_623 = vector.shape_cast %select_n3A_622 : vector<16xi32> to vector<16x1xi32>
        %gather3A_624 = vector.shape_cast %broadcast_in_dim3A_623 : vector<16x1xi32> to vector<16xi32>
        %gather3A_625 = tpu.dynamic_gather %add3A_597[%gather3A_624] in [0] : vector<16xi32>, vector<16xi32> -> vector<16xi32>
        %add3A_626 = arith.addi %add3A_597, %gather3A_625 : vector<16xi32>
        %add3A_627 = arith.constant 4 : i32
        %add3A_628 = vector.broadcast %add3A_627 : i32 to vector<16xi32>
        %add3A_629 = arith.addi %iota3A, %add3A_628 : vector<16xi32>
        %jit3A_630 = arith.constant 16 : i32
        %eq3A_631 = arith.constant 0 : i32
        %eq3A_632 = arith.cmpi eq, %jit3A_630, %eq3A_631 : i32
        %jit3A_633 = arith.constant 1 : i32
        %select_n3A_634 = arith.select %eq3A_632, %jit3A_633, %jit3A_630 : i32
        %rem3A_635 = vector.broadcast %select_n3A_634 : i32 to vector<16xi32>
        %rem3A_636 = arith.remsi %add3A_629, %rem3A_635 : vector<16xi32>
        %ne3A_637 = arith.constant 0 : i32
        %ne3A_638 = vector.broadcast %ne3A_637 : i32 to vector<16xi32>
        %ne3A_639 = arith.cmpi ne, %rem3A_636, %ne3A_638 : vector<16xi32>
        %lt3A_640 = arith.constant 0 : i32
        %lt3A_641 = vector.broadcast %lt3A_640 : i32 to vector<16xi32>
        %lt3A_642 = arith.cmpi slt, %rem3A_636, %lt3A_641 : vector<16xi32>
        %lt3A_643 = arith.constant 0 : i32
        %lt3A_644 = arith.cmpi slt, %select_n3A_634, %lt3A_643 : i32
        %ne3A_645 = vector.broadcast %lt3A_644 : i1 to vector<16xi1>
        %ne3A_646 = vector.broadcast %ne3A_645 : vector<16xi1> to vector<16xi1>
        %ne3A_647 = arith.xori %lt3A_642, %ne3A_646 : vector<16xi1>
        %and3A_648 = arith.andi %ne3A_647, %ne3A_639 : vector<16xi1>
        %add3A_649 = vector.broadcast %select_n3A_634 : i32 to vector<16xi32>
        %add3A_650 = arith.addi %rem3A_636, %add3A_649 : vector<16xi32>
        %select_n3A_651 = arith.select %and3A_648, %add3A_650, %rem3A_636 : vector<16xi1>, vector<16xi32>
        %broadcast_in_dim3A_652 = vector.shape_cast %select_n3A_651 : vector<16xi32> to vector<16x1xi32>
        %gather3A_653 = vector.shape_cast %broadcast_in_dim3A_652 : vector<16x1xi32> to vector<16xi32>
        %gather3A_654 = tpu.dynamic_gather %add3A_626[%gather3A_653] in [0] : vector<16xi32>, vector<16xi32> -> vector<16xi32>
        %add3A_655 = arith.addi %add3A_626, %gather3A_654 : vector<16xi32>
        %add3A_656 = arith.constant 8 : i32
        %add3A_657 = vector.broadcast %add3A_656 : i32 to vector<16xi32>
        %add3A_658 = arith.addi %iota3A, %add3A_657 : vector<16xi32>
        %jit3A_659 = arith.constant 16 : i32
        %eq3A_660 = arith.constant 0 : i32
        %eq3A_661 = arith.cmpi eq, %jit3A_659, %eq3A_660 : i32
        %jit3A_662 = arith.constant 1 : i32
        %select_n3A_663 = arith.select %eq3A_661, %jit3A_662, %jit3A_659 : i32
        %rem3A_664 = vector.broadcast %select_n3A_663 : i32 to vector<16xi32>
        %rem3A_665 = arith.remsi %add3A_658, %rem3A_664 : vector<16xi32>
        %ne3A_666 = arith.constant 0 : i32
        %ne3A_667 = vector.broadcast %ne3A_666 : i32 to vector<16xi32>
        %ne3A_668 = arith.cmpi ne, %rem3A_665, %ne3A_667 : vector<16xi32>
        %lt3A_669 = arith.constant 0 : i32
        %lt3A_670 = vector.broadcast %lt3A_669 : i32 to vector<16xi32>
        %lt3A_671 = arith.cmpi slt, %rem3A_665, %lt3A_670 : vector<16xi32>
        %lt3A_672 = arith.constant 0 : i32
        %lt3A_673 = arith.cmpi slt, %select_n3A_663, %lt3A_672 : i32
        %ne3A_674 = vector.broadcast %lt3A_673 : i1 to vector<16xi1>
        %ne3A_675 = vector.broadcast %ne3A_674 : vector<16xi1> to vector<16xi1>
        %ne3A_676 = arith.xori %lt3A_671, %ne3A_675 : vector<16xi1>
        %and3A_677 = arith.andi %ne3A_676, %ne3A_668 : vector<16xi1>
        %add3A_678 = vector.broadcast %select_n3A_663 : i32 to vector<16xi32>
        %add3A_679 = arith.addi %rem3A_665, %add3A_678 : vector<16xi32>
        %select_n3A_680 = arith.select %and3A_677, %add3A_679, %rem3A_665 : vector<16xi1>, vector<16xi32>
        %broadcast_in_dim3A_681 = vector.shape_cast %select_n3A_680 : vector<16xi32> to vector<16x1xi32>
        %gather3A_682 = vector.shape_cast %broadcast_in_dim3A_681 : vector<16x1xi32> to vector<16xi32>
        %gather3A_683 = tpu.dynamic_gather %add3A_655[%gather3A_682] in [0] : vector<16xi32>, vector<16xi32> -> vector<16xi32>
        %add3A_684 = arith.addi %add3A_655, %gather3A_683 : vector<16xi32>
        %sub3A_685 = arith.subi %convert_element_type3A_552, %add3A_684 : vector<16xi32>
        %abs3A_686 = math.absi %sub3A_685 : vector<16xi32>
        %min3A_687 = arith.constant 1 : i32
        %min3A_688 = vector.broadcast %min3A_687 : i32 to vector<16xi32>
        %min3A_689 = arith.minsi %abs3A_686, %min3A_688 : vector<16xi32>
        %swap3A_690 = arith.constant 0 : index
        %swap3A_691 = tpu.vector_load %arg15[%swap3A_690] {strides = array<i32>} : memref<16xi32, #tpu.memory_space<vmem>>, vector<16xi32>,
        %swap3A_692 = vector.shape_cast %swap3A_691 : vector<16xi32> to vector<16xi32>
        %swap3A_693 = vector.shape_cast %min3A_689 : vector<16xi32> to vector<16xi32>
        tpu.vector_store %arg15[%swap3A_690], %swap3A_693 {strides = array<i32>} : memref<16xi32, #tpu.memory_space<vmem>>, vector<16xi32>,
      } else {
      }
      %get3A_269 = arith.constant 0 : index
      %get3A_270 = tpu.vector_load %arg15[%get3A_269] {strides = array<i32>} : memref<16xi32, #tpu.memory_space<vmem>>, vector<16xi32>,
      %get3A_271 = vector.shape_cast %get3A_270 : vector<16xi32> to vector<16xi32>
      %slice3A_272 = vector.extract_strided_slice %get3A_271 {offsets = [0], sizes = [1], strides = [1]} : vector<16xi32> to vector<1xi32>
      %squeeze3A_273 = vector.extract %slice3A_272[0] : i32 from vector<1xi32>
      %sub3A_274 = arith.constant 14 : i32
      %sub3A_275 = arith.subi %scan3A_253, %sub3A_274 : i32
      %max3A_276 = arith.constant 0 : i32
      %max3A_277 = arith.maxsi %sub3A_275, %max3A_276 : i32
      %min3A_278 = arith.constant 1 : i32
      %min3A_279 = arith.minsi %max3A_277, %min3A_278 : i32
      %max3A_280 = arith.maxsi %squeeze3A_273, %min3A_279 : i32
      %mul3A_281 = arith.muli %mul3A_265, %max3A_280 : i32
      %sub3A_282 = arith.subi %scan3A_253, %scan3A_255 : i32
      %mul3A_283 = arith.muli %mul3A_281, %sub3A_282 : i32
      %add3A_284 = arith.addi %scan3A_255, %mul3A_283 : i32
      %add3A_285 = arith.addi %scan3A_254, %mul3A_281 : i32
      %min3A_286 = arith.constant 1 : i32
      %min3A_287 = arith.minsi %add3A_285, %min3A_286 : i32
      scf.yield %min3A_287, %add3A_284 : i32, i32
    }
    %scan3A_154 = arith.constant 16 : i32
    %sub3A_155 = arith.constant 1 : i32
    %sub3A_156 = arith.subi %squeeze3A, %sub3A_155 : i32
    %sub3A_157 = arith.subi %scan3A_153#1, %sub3A_156 : i32
    %max3A = arith.constant 0 : i32
    %max3A_158 = arith.maxsi %sub3A_157, %max3A : i32
    %mul3A_159 = arith.constant 0 : i32
    %mul3A_160 = vector.broadcast %mul3A_159 : i32 to vector<16xi32>
    %mul3A_161 = arith.muli %iota3A, %mul3A_160 : vector<16xi32>
    %add3A_162 = vector.broadcast %max3A_158 : i32 to vector<16xi32>
    %add3A_163 = arith.addi %mul3A_161, %add3A_162 : vector<16xi32>
    %add3A_164 = arith.addi %add3A_132, %add3A_163 : vector<16xi32>
    %min3A_165 = arith.constant 1 : i32
    %min3A_166 = vector.broadcast %min3A_165 : i32 to vector<16xi32>
    %min3A_167 = arith.minsi %iota3A, %min3A_166 : vector<16xi32>
    %sub3A_168 = arith.constant 1 : i32
    %sub3A_169 = vector.broadcast %sub3A_168 : i32 to vector<16xi32>
    %sub3A_170 = arith.subi %sub3A_169, %min3A_167 : vector<16xi32>
    %sub3A_171 = arith.constant 1 : i32
    %sub3A_172 = vector.broadcast %sub3A_171 : i32 to vector<16xi32>
    %sub3A_173 = arith.subi %iota3A, %sub3A_172 : vector<16xi32>
    %abs3A_174 = math.absi %sub3A_173 : vector<16xi32>
    %min3A_175 = arith.constant 1 : i32
    %min3A_176 = vector.broadcast %min3A_175 : i32 to vector<16xi32>
    %min3A_177 = arith.minsi %abs3A_174, %min3A_176 : vector<16xi32>
    %sub3A_178 = arith.constant 1 : i32
    %sub3A_179 = vector.broadcast %sub3A_178 : i32 to vector<16xi32>
    %sub3A_180 = arith.subi %sub3A_179, %min3A_177 : vector<16xi32>
    %mul3A_181 = arith.muli %add3A_163, %sub3A_170 : vector<16xi32>
    %mul3A_182 = arith.muli %add3A_164, %sub3A_180 : vector<16xi32>
    %add3A_183 = arith.addi %mul3A_181, %mul3A_182 : vector<16xi32>
    %swap3A_184 = arith.constant 0 : index
    %swap3A_185 = tpu.vector_load %arg15[%swap3A_184] {strides = array<i32>} : memref<16xi32, #tpu.memory_space<vmem>>, vector<16xi32>,
    %swap3A_186 = vector.shape_cast %swap3A_185 : vector<16xi32> to vector<16xi32>
    %swap3A_187 = vector.shape_cast %add3A_183 : vector<16xi32> to vector<16xi32>
    tpu.vector_store %arg15[%swap3A_184], %swap3A_187 {strides = array<i32>} : memref<16xi32, #tpu.memory_space<vmem>>, vector<16xi32>,
    %mul3A_188 = arith.constant 16 : i32
    %mul3A_189 = arith.muli %add3A, %mul3A_188 : i32
    "tpu.region"() ({
      %run_scoped3A = tpu.sem_alloc : memref<!tpu.dma_semaphore, #tpu.memory_space<semaphore_mem>>
      %dma_start3A = tpu.memref_slice %arg8[%mul3A_189] : memref<512xi32, #tpu.memory_space<hbm>> -> memref<16xi32, #tpu.memory_space<hbm>>
      %dma_start3A_253 = tpu.memref_slice %arg8[%mul3A_189] : memref<512xi32, #tpu.memory_space<hbm>> -> memref<16xi32, #tpu.memory_space<hbm>>
      tpu.enqueue_dma source(%arg15 : memref<16xi32, #tpu.memory_space<vmem>>) target(%dma_start3A_253 : memref<16xi32, #tpu.memory_space<hbm>>) target_semaphore(%run_scoped3A : memref<!tpu.dma_semaphore, #tpu.memory_space<semaphore_mem>>)
      %dma_wait3A = tpu.memref_slice %arg8[%mul3A_189] : memref<512xi32, #tpu.memory_space<hbm>> -> memref<16xi32, #tpu.memory_space<hbm>>
      %dma_wait3A_254 = tpu.memref_slice %arg8[%mul3A_189] : memref<512xi32, #tpu.memory_space<hbm>> -> memref<16xi32, #tpu.memory_space<hbm>>
      tpu.wait_dma2 semaphore(%run_scoped3A : memref<!tpu.dma_semaphore, #tpu.memory_space<semaphore_mem>>) src(%arg15 : memref<16xi32, #tpu.memory_space<vmem>>) dst(%dma_wait3A_254 : memref<16xi32, #tpu.memory_space<hbm>>)
      tpu.yield
    }) : () -> ()
    %add3A_190 = arith.constant 1 : i32
    %add3A_191 = vector.broadcast %add3A_190 : i32 to vector<16xi32>
    %add3A_192 = arith.addi %iota3A, %add3A_191 : vector<16xi32>
    %jit3A_193 = arith.constant 16 : i32
    %eq3A_194 = arith.constant 0 : i32
    %eq3A_195 = arith.cmpi eq, %jit3A_193, %eq3A_194 : i32
    %jit3A_196 = arith.constant 1 : i32
    %select_n3A_197 = arith.select %eq3A_195, %jit3A_196, %jit3A_193 : i32
    %rem3A_198 = vector.broadcast %select_n3A_197 : i32 to vector<16xi32>
    %rem3A_199 = arith.remsi %add3A_192, %rem3A_198 : vector<16xi32>
    %ne3A_200 = arith.constant 0 : i32
    %ne3A_201 = vector.broadcast %ne3A_200 : i32 to vector<16xi32>
    %ne3A_202 = arith.cmpi ne, %rem3A_199, %ne3A_201 : vector<16xi32>
    %lt3A_203 = arith.constant 0 : i32
    %lt3A_204 = vector.broadcast %lt3A_203 : i32 to vector<16xi32>
    %lt3A_205 = arith.cmpi slt, %rem3A_199, %lt3A_204 : vector<16xi32>
    %lt3A_206 = arith.constant 0 : i32
    %lt3A_207 = arith.cmpi slt, %select_n3A_197, %lt3A_206 : i32
    %ne3A_208 = vector.broadcast %lt3A_207 : i1 to vector<16xi1>
    %ne3A_209 = vector.broadcast %ne3A_208 : vector<16xi1> to vector<16xi1>
    %ne3A_210 = arith.xori %lt3A_205, %ne3A_209 : vector<16xi1>
    %and3A_211 = arith.andi %ne3A_210, %ne3A_202 : vector<16xi1>
    %add3A_212 = vector.broadcast %select_n3A_197 : i32 to vector<16xi32>
    %add3A_213 = arith.addi %rem3A_199, %add3A_212 : vector<16xi32>
    %select_n3A_214 = arith.select %and3A_211, %add3A_213, %rem3A_199 : vector<16xi1>, vector<16xi32>
    %broadcast_in_dim3A_215 = vector.shape_cast %select_n3A_214 : vector<16xi32> to vector<16x1xi32>
    %gather3A_216 = vector.shape_cast %broadcast_in_dim3A_215 : vector<16x1xi32> to vector<16xi32>
    %gather3A_217 = tpu.dynamic_gather %get3A_143[%gather3A_216] in [0] : vector<16xi32>, vector<16xi32> -> vector<16xi32>
    %get3A_218 = arith.constant 0 : index
    %get3A_219 = tpu.vector_load %arg14[%get3A_218] {strides = array<i32>} : memref<16xi32, #tpu.memory_space<vmem>>, vector<16xi32>,
    %get3A_220 = vector.shape_cast %get3A_219 : vector<16xi32> to vector<16xi32>
    %sub3A_221 = arith.constant 1 : i32
    %sub3A_222 = vector.broadcast %sub3A_221 : i32 to vector<16xi32>
    %sub3A_223 = arith.subi %add3A_164, %sub3A_222 : vector<16xi32>
    %sub3A_224 = arith.subi %sub3A_223, %iota3A : vector<16xi32>
    %max3A_225 = arith.constant 0 : i32
    %max3A_226 = vector.broadcast %max3A_225 : i32 to vector<16xi32>
    %max3A_227 = arith.maxsi %sub3A_224, %max3A_226 : vector<16xi32>
    %min3A_228 = arith.constant 1 : i32
    %min3A_229 = vector.broadcast %min3A_228 : i32 to vector<16xi32>
    %min3A_230 = arith.minsi %max3A_227, %min3A_229 : vector<16xi32>
    %sub3A_231 = arith.constant 1 : i32
    %sub3A_232 = vector.broadcast %sub3A_231 : i32 to vector<16xi32>
    %sub3A_233 = arith.subi %add3A_164, %sub3A_232 : vector<16xi32>
    %sub3A_234 = arith.subi %iota3A, %sub3A_233 : vector<16xi32>
    %abs3A_235 = math.absi %sub3A_234 : vector<16xi32>
    %min3A_236 = arith.constant 1 : i32
    %min3A_237 = vector.broadcast %min3A_236 : i32 to vector<16xi32>
    %min3A_238 = arith.minsi %abs3A_235, %min3A_237 : vector<16xi32>
    %sub3A_239 = arith.constant 1 : i32
    %sub3A_240 = vector.broadcast %sub3A_239 : i32 to vector<16xi32>
    %sub3A_241 = arith.subi %sub3A_240, %min3A_238 : vector<16xi32>
    %mul3A_242 = arith.muli %gather3A_217, %min3A_230 : vector<16xi32>
    %mul3A_243 = arith.muli %get3A_220, %sub3A_241 : vector<16xi32>
    %add3A_244 = arith.addi %mul3A_242, %mul3A_243 : vector<16xi32>
    %swap3A_245 = arith.constant 0 : index
    %swap3A_246 = tpu.vector_load %arg15[%swap3A_245] {strides = array<i32>} : memref<16xi32, #tpu.memory_space<vmem>>, vector<16xi32>,
    %swap3A_247 = vector.shape_cast %swap3A_246 : vector<16xi32> to vector<16xi32>
    %swap3A_248 = vector.shape_cast %add3A_244 : vector<16xi32> to vector<16xi32>
    tpu.vector_store %arg15[%swap3A_245], %swap3A_248 {strides = array<i32>} : memref<16xi32, #tpu.memory_space<vmem>>, vector<16xi32>,
    %mul3A_249 = arith.constant 16 : i32
    %mul3A_250 = arith.muli %add3A, %mul3A_249 : i32
    "tpu.region"() ({
      %run_scoped3A = tpu.sem_alloc : memref<!tpu.dma_semaphore, #tpu.memory_space<semaphore_mem>>
      %dma_start3A = tpu.memref_slice %arg7[%mul3A_250] : memref<512xi32, #tpu.memory_space<hbm>> -> memref<16xi32, #tpu.memory_space<hbm>>
      %dma_start3A_253 = tpu.memref_slice %arg7[%mul3A_250] : memref<512xi32, #tpu.memory_space<hbm>> -> memref<16xi32, #tpu.memory_space<hbm>>
      tpu.enqueue_dma source(%arg15 : memref<16xi32, #tpu.memory_space<vmem>>) target(%dma_start3A_253 : memref<16xi32, #tpu.memory_space<hbm>>) target_semaphore(%run_scoped3A : memref<!tpu.dma_semaphore, #tpu.memory_space<semaphore_mem>>)
      %dma_wait3A = tpu.memref_slice %arg7[%mul3A_250] : memref<512xi32, #tpu.memory_space<hbm>> -> memref<16xi32, #tpu.memory_space<hbm>>
      %dma_wait3A_254 = tpu.memref_slice %arg7[%mul3A_250] : memref<512xi32, #tpu.memory_space<hbm>> -> memref<16xi32, #tpu.memory_space<hbm>>
      tpu.wait_dma2 semaphore(%run_scoped3A : memref<!tpu.dma_semaphore, #tpu.memory_space<semaphore_mem>>) src(%arg15 : memref<16xi32, #tpu.memory_space<vmem>>) dst(%dma_wait3A_254 : memref<16xi32, #tpu.memory_space<hbm>>)
      tpu.yield
    }) : () -> ()
    %mul3A_251 = arith.constant 100000 : i32
    %mul3A_252 = arith.muli %add3A, %mul3A_251 : i32
    "tpu.region"() ({
      %run_scoped3A = tpu.sem_alloc : memref<!tpu.dma_semaphore, #tpu.memory_space<semaphore_mem>>
      %dma_start3A = tpu.memref_slice %arg9[%mul3A_252] : memref<3200000xf32, #tpu.memory_space<hbm>> -> memref<100000xf32, #tpu.memory_space<hbm>>
      %dma_start3A_253 = tpu.memref_slice %arg9[%mul3A_252] : memref<3200000xf32, #tpu.memory_space<hbm>> -> memref<100000xf32, #tpu.memory_space<hbm>>
      tpu.enqueue_dma source(%arg10 : memref<100000xf32, #tpu.memory_space<vmem>>) target(%dma_start3A_253 : memref<100000xf32, #tpu.memory_space<hbm>>) target_semaphore(%run_scoped3A : memref<!tpu.dma_semaphore, #tpu.memory_space<semaphore_mem>>)
      %dma_wait3A = tpu.memref_slice %arg9[%mul3A_252] : memref<3200000xf32, #tpu.memory_space<hbm>> -> memref<100000xf32, #tpu.memory_space<hbm>>
      %dma_wait3A_254 = tpu.memref_slice %arg9[%mul3A_252] : memref<3200000xf32, #tpu.memory_space<hbm>> -> memref<100000xf32, #tpu.memory_space<hbm>>
      tpu.wait_dma2 semaphore(%run_scoped3A : memref<!tpu.dma_semaphore, #tpu.memory_space<semaphore_mem>>) src(%arg10 : memref<100000xf32, #tpu.memory_space<vmem>>) dst(%dma_wait3A_254 : memref<100000xf32, #tpu.memory_space<hbm>>)
      tpu.yield
    }) : () -> ()
    return
  }
}

</mosaic_0001>

<sc_bundles>
// kernel: kernel.3.cloned.1.call-start
scs
__scs_entry_jumppad:
0x0: {  	(pc) =	sbr.rel $0x88, $3  }
0x1: {  	(tag) =	ssettag $0x0;
	lr =	simm.s32 $0x1  }
0x2: {  	[smem:$0x3F9E] =	sst lr;
	_ =	strace $0xD0000000  }
0x3: {  	_ = 	snop  }
0x4: {  	_ = 	snop  }
0x5: {  	_ = 	snop  }
0x6: {  	_ = 	snop  }
0x7: {  	_ = 	snop  }
__scs_overlays_trampoline_lowered:
0x8: {  	[smem:$0x3FAD] =	sst s0  }
0x9: {  	[smem:$0x3FAE] =	sst s1  }
0xa: {  	[smem:$0x3FAF] =	sst s2  }
0xb: {  	[smem:$0x3FB0] =	sst s3  }
0xc: {  	[smem:$0x3FB1] =	sst s4  }
0xd: {  	[smem:$0x3FB2] =	sst s5  }
0xe: {  	[smem:$0x3FB3] =	sst s6  }
0xf: {  	[smem:$0x3FB4] =	sst s7  }
0x10: {  	[smem:$0x3FB5] =	sst s8  }
0x11: {  	[smem:$0x3FB6] =	sst s9;
	s0 =	simm.s32 @!p0 $0x0  }
0x12: {  	s1 =	sld [smem:$0x3F9C];
	s0 =	simm.s32 @p0 $0x1  }
0x13: {  	[smem:$0x3FB7] =	sst s0;
	s0 =	simm.s32 @!p1 $0x0  }
0x14: {  	s2 =	sld [smem:$0x3F9B];
	s0 =	simm.s32 @p1 $0x1  }
0x15: {  	[smem:$0x3FB8] =	sst s0;
	s0 =	simm.s32 @!p2 $0x0  }
0x16: {  	s3 =	sld [smem:$0x3FDB];
	s0 =	simm.s32 @p2 $0x1  }
0x17: {  	s4 =	simm.s32 $0x1BF5;
	[smem:$0x3FBA] =	sst s0  }
0x18: {  	s0 =	sld [smem:$0x3F9D];
	_ =	swait.ge [sflag:s4], $0x0  }
0x19: {  	s7 =	sld [smem:$0x3F9E]  }
0x1a: {  	s8 =	sadd.s32 $0xFFFFE003, lr  }
0x1b: {  	s9 =	sadd.s32 $0xFFFFFEF7, lr;
	s5 =	simm.s32 $0xFFFFFFFF;
	p2 =	slt.u32 s8, $0xFFFFF086  }
0x1c: {  	p1 =	slt.u32 s9, $0xF7A;
	s5 =	simm.s32 @!p2 $0x0  }
0x1d: {  	s5 =	simm.s32 @p1 $0x1;
	p0 =	seq.s32 s7, s2  }
0x1e: {  	s7 =	smul.u32 @!p0 $0xF7A, s2;
	p2 =	seq.s32 @!p0 s5, $0x0  }
0x1f: {  	s9 =	smul.u32 $0xF7A, s1;
	s8 =	simm.s32 @!p0 $0x1BF5;
	p2 =	por !p2, p0  }
0x20: {  	[sflag:s8] =	ssyncset.s32 @!p0 $0xFFFFF086;
	s6 =	sadd.s32 @!p0 s3, s7;
	s7 =	simm.s32 @!p0 $0x108  }
0x21: {  	s3 =	sadd.s32 s3, s9;
	s6 =	sadd.s32 @!p0 $0x88, s6;
	s7 =	simm.s32 @p2 $0x1082  }
0x22: {  	[simem:s7], [sflag:s8] =	dma.local @!p0 [hbm:s6], $0xF7A  }
0x23: {  	s9 =	sor.u32 $0xD0000000, s2;
	s6 =	simm.s32 $0x108;
	_ =	swait.ge @!p0 [sflag:s8], $0x0  }
0x24: {  	s3 =	sadd.s32 $0x88, s3;
	s6 =	simm.s32 @!p1 $0x1082;
	[sflag:s4] =	ssyncset.s32 $0xFFFFF086  }
0x25: {  	[simem:s6], [sflag:s4] =	dma.local [hbm:s3], $0xF7A  }
0x26: {  	[smem:$0x3F9E] =	sst s1;
	(tag) =	ssettag s2;
	_ =	strace s9  }
0x27: {  	s1 =	sld [smem:$0x3FAE]  }
0x28: {  	s2 =	sld [smem:$0x3FAF]  }
0x29: {  	s4 =	sld [smem:$0x3FB1]  }
0x2a: {  	p0 =	seq.s32 s5, $0x0;
	s5 =	sld [smem:$0x3FB2]  }
0x2b: {  	s6 =	sld [smem:$0x3FB3]  }
0x2c: {  	s7 =	sld [smem:$0x3FB4]  }
0x2d: {  	s3 =	simm.s32 $0x108;
	s8 =	sld [smem:$0x3FB5]  }
0x2e: {  	s3 =	simm.s32 @!p0 $0x1082;
	s9 =	sld [smem:$0x3FB6]  }
0x2f: {  	lr =	sadd.s32 s0, s3;
	s0 =	sld [smem:$0x3FAD]  }
0x30: {  	s3 =	sld [smem:$0x3FB0]  }
0x31: {  	[smem:$0x3FB9] =	sst s10  }
0x32: {  	s10 =	sld [smem:$0x3FB7];
	_ =	sdelay $0x3  }
0x33: {  	p0 =	seq.s32 s10, $0x1;
	s10 =	sld [smem:$0x3FB9];
	_ =	sdelay $0x3  }
0x34: {  	[smem:$0x3FB9] =	sst s10  }
0x35: {  	s10 =	sld [smem:$0x3FB8];
	_ =	sdelay $0x3  }
0x36: {  	p1 =	seq.s32 s10, $0x1;
	s10 =	sld [smem:$0x3FB9];
	_ =	sdelay $0x3  }
0x37: {  	[smem:$0x3FB9] =	sst s10  }
0x38: {  	s10 =	sld [smem:$0x3FBA]  }
0x39: {  	_ = 	snop;
	(pc) =	sbr.ind lr, $3  }
0x3a: {  	_ = 	snop  }
0x3b: {  	_ = 	snop  }
0x3c: {  	p2 =	seq.s32 s10, $0x1;
	s10 =	sld [smem:$0x3FB9]  }
0x3d: {  	_ =	shalt  }
0x3e: {  	_ =	shalt  }
0x3f: {  	_ =	shalt  }
0x40: {  	_ =	shalt  }
0x41: {  	_ =	shalt  }
0x42: {  	_ =	shalt  }
0x43: {  	_ =	shalt  }
0x44: {  	_ =	shalt  }
0x45: {  	_ =	shalt  }
0x46: {  	_ =	shalt  }
0x47: {  	_ =	shalt  }
0x48: {  	_ =	shalt  }
0x49: {  	_ =	shalt  }
0x4a: {  	_ =	shalt  }
0x4b: {  	_ =	shalt  }
0x4c: {  	_ =	shalt  }
0x4d: {  	_ =	shalt  }
0x4e: {  	_ =	shalt  }
0x4f: {  	_ =	shalt  }
0x50: {  	_ =	shalt  }
0x51: {  	_ =	shalt  }
0x52: {  	_ =	shalt  }
0x53: {  	_ =	shalt  }
0x54: {  	_ =	shalt  }
0x55: {  	_ =	shalt  }
0x56: {  	_ =	shalt  }
0x57: {  	_ =	shalt  }
0x58: {  	_ =	shalt  }
0x59: {  	_ =	shalt  }
0x5a: {  	_ =	shalt  }
0x5b: {  	_ =	shalt  }
0x5c: {  	_ =	shalt  }
0x5d: {  	_ =	shalt  }
0x5e: {  	_ =	shalt  }
0x5f: {  	_ =	shalt  }
0x60: {  	_ =	shalt  }
0x61: {  	_ =	shalt  }
0x62: {  	_ =	shalt  }
0x63: {  	_ =	shalt  }
0x64: {  	_ =	shalt  }
0x65: {  	_ =	shalt  }
0x66: {  	_ =	shalt  }
0x67: {  	_ =	shalt  }
0x68: {  	_ =	shalt  }
0x69: {  	_ =	shalt  }
0x6a: {  	_ =	shalt  }
0x6b: {  	_ =	shalt  }
0x6c: {  	_ =	shalt  }
0x6d: {  	_ =	shalt  }
0x6e: {  	_ =	shalt  }
0x6f: {  	_ =	shalt  }
0x70: {  	_ =	shalt  }
0x71: {  	_ =	shalt  }
0x72: {  	_ =	shalt  }
0x73: {  	_ =	shalt  }
0x74: {  	_ =	shalt  }
0x75: {  	_ =	shalt  }
0x76: {  	_ =	shalt  }
0x77: {  	_ =	shalt  }
0x78: {  	_ =	shalt  }
0x79: {  	_ =	shalt  }
0x7a: {  	_ =	shalt  }
0x7b: {  	_ =	shalt  }
0x7c: {  	_ =	shalt  }
0x7d: {  	_ =	shalt  }
0x7e: {  	_ =	shalt  }
0x7f: {  	_ =	shalt  }
0x80: {  	_ =	shalt  }
0x81: {  	_ =	shalt  }
0x82: {  	_ =	shalt  }
0x83: {  	_ =	shalt  }
0x84: {  	_ =	shalt  }
0x85: {  	_ =	shalt  }
0x86: {  	_ =	shalt  }
0x87: {  	_ =	shalt  }
.Lfunc_end0:
.L_simem_size_0:
called_computation_lowered:
.L_overlay_start_0:
0x88: {  	s2 =	sld [smem:$0x3FD9]  }
0x89: {  	s3 =	sld [smem:$0x3FFE];
	_ =	sdelay $0x1  }
0x8a: {  	s1 =	srdreg.scid  }
0x8b: {  	s0 =	sand.u32 $0x1, s1  }
0x8c: {  	s14 =	sshll.u32 s0, $0xA;
	s2 =	sadd.s32 s3, s2  }
0x8d: {  	s2 =	sadd.s32 s2, s14  }
0x8e: {  	[smem:$0x3FC5] =	sst s2  }
0x8f: {  	_ = 	snop  }
0x90: {  	s2 =	sld [smem:$0x3FD0];
	_ =	sdelay $0x1  }
0x91: {  	s15 =	sld [smem:$0x3FC8]  }
0x92: {  	s5 =	simm.s32 $0xA;
	s6 =	simm.s32 $0x10;
	s4 =	sld [smem:$0x3FC7]  }
0x93: {  	[smem:s6], [sflag:s5] =	dma.local [hbm:s2], $0x1  }
0x94: {  	_ =	swait.eq [sflag:s5], $0x1  }
0x95: {  	[sflag:s5] =	ssyncset.done $0x0  }
0x96: {  	s16 =	sld [smem:$0x10];
	[sflag:s5] =	ssyncadd.s32 $0xFFFFFFFF  }
0x97: {  	s17 =	sld [smem:$0x13];
	(tm) =	ssettm $0x1  }
0x98: {  	s18 =	sld [smem:$0x3FFB];
	_ =	sdelay $0x3  }
0x99: {  	_ =	strace s18  }
0x9a: {  	s6 =	sld [smem:$0x3FFC];
	_ =	sdelay $0x3  }
0x9b: {  	_ =	strace s6  }
0x9c: {  	s6 =	sld [smem:$0x3FFD];
	_ =	sdelay $0x3  }
0x9d: {  	_ =	strace s6  }
0x9e: {  	_ =	strace $0x8FFFFFFF  }
0x9f: {  	s19 =	sld [smem:$0x3FDB];
	_ =	sdelay $0x1  }
0xa0: {  	s7 =	simm.s32 $_scs_section_size  }
0xa1: {  	s8 =	simm.s32 $_size__tile_overlayer_lowered;
	s9 =	simm.s32 $_tile_overlayer_lowered  }
0xa2: {  	s22 =	simm.s32 $0x1BFF;
	s21 =	sshll.u32 s9, $0x1;
	s6 =	sadd.s32 s7, s19  }
0xa3: {  	s10 =	simm.s32 $0x0;
	s20 =	sshll.u32 s8, $0x1;
	s8 =	sadd.s32 s21, s6  }
0xa4: {  	[timem:s10], [sflag:s22] =	dma.local [hbm:s8], s20  }
0xa5: {  	_ =	swait.ge [sflag:s22], s20  }
0xa6: {  	s7 =	ssub.s32 $0x0, s20;
	[sflag:s22] =	ssyncset.done $0x0  }
0xa7: {  	[sflag:s22] =	ssyncadd.s32 s7;
	_ =	sdelay $0x1  }
0xa8: {  	s23 =	simm.s32 $0x1B8B  }
0xa9: {  	_ =	swait.ge [sflag:s23], $0x1  }
0xaa: {  	[sflag:s23] =	ssyncset.done $0x0  }
0xab: {  	s25 =	simm.s32 $0x1B8E;
	s24 =	sld [smem:$0x3FFE];
	[sflag:s23] =	ssyncadd.s32 $0xFFFFFFFF  }
0xac: {  	s26 =	simm.s32 $execute0_lowered;
	[smem:$0x3FD2] =	sst s25  }
0xad: {  	s8 =	sshll.u32 s26, $0x1;
	_ =	strace $0x80000046;
	[dreg:$0x1] =	wrdreg $0xFFFFFFFF  }
0xae: {  	s28 =	simm.s32 $_size_execute0_lowered;
	s6 =	sadd.s32 s6, s8;
	[dreg:$0x0] =	wrdreg $0x0  }
0xaf: {  	s8 =	sshll.u32 s28, $0x1;
	[dreg:$0x2] =	wrdreg s6  }
0xb0: {  	[dreg:$0x3] =	wrdreg s8  }
0xb1: {  	[dreg:$0x4] =	wrdreg $0xC0  }
0xb2: {  	_ =	task [dreg:s10], $0x5FFFF  }
0xb3: {  	[dreg:$0x1] =	wrdreg $0xFFFFFFFF  }
0xb4: {  	[dreg:$0x0] =	wrdreg $0x60  }
0xb5: {  	[dreg:$0x2] =	wrdreg s16  }
0xb6: {  	[dreg:$0x3] =	wrdreg s17  }
0xb7: {  	[dreg:$0x4] =	wrdreg s24  }
0xb8: {  	[dreg:$0x5] =	wrdreg s15  }
0xb9: {  	[dreg:$0x6] =	wrdreg s4  }
0xba: {  	[dreg:$0x7] =	wrdreg $0x9  }
0xbb: {  	_ =	task.clear_ibuf [dreg:s10], $0x8FFFF;
	_ =	strace $0x90000046  }
0xbc: {  	s29 =	simm.s32 $0x9;
	_ =	strace $0x80000048  }
0xbd: {  	_ =	swait.ge [sflag:s29], $0x1  }
0xbe: {  	[sflag:s29] =	ssyncadd.s32 $0xFFFFFFFF  }
0xbf: {  	_ =	strace $0x90000048  }
0xc0: {  	_ =	sfence  }
0xc1: {  	s30 =	sld [smem:$0x0];
	_ =	sdelay $0x2  }
0xc2: {  	s31 =	sshll.u32 s1, $0xD;
	s1 =	sshrl.u32 s1, $0x2  }
0xc3: {  	s3 =	sand.u32 $0x4000, s31;
	s1 =	sadd.s32 s1, s30  }
0xc4: {  	s0 =	sor.u32 s3, s0;
	s1 =	sshll.u32 s1, $0x11  }
0xc5: {  	s0 =	sor.u32 s1, s0  }
0xc6: {  	s0 =	sadd.s32 $0x8F2B, s0  }
0xc7: {  	[sflag:s0] =	ssyncadd.remote.s32 $0x1  }
0xc8: {  	_ =	sfence.sel $0xFFFF  }
0xc9: {  	[dreg:$0x0] =	wrdreg $0xFFFFFFFF;
	(pc) =	sbr.abs _section_cstart, $3  }
0xca: {  	[dreg:$0x1] =	wrdreg $0xFFFFFFFF  }
0xcb: {  	_ =	task.clear_ibuf [dreg:s10], $0x2FFFF;
	_ =	strace $0x9FFFFFFF  }
0xcc: {  	(tm) =	ssettm $0x7FFFFFFF  }
0xcd: {  	_ =	shalt  }
tec
execute0_lowered:
.L_overlay_start_1:
0x0: {  	(tag) =	ssettag $0x1  }
0x1: {  	v0 =	vlaneseq.u32;
	v3 =	vimm.s32 $0x87654321  }
0x2: {  	s0 =	srdreg.scid;
	s1 =	stileid.u32;
	v5 =	vimm.s32 $0x10FEDCBA;
	v6 =	vimm.s32 $0x98765432;
	v7 =	vimm.s32 $0x3210FEDC  }
0x3: {  	v8 =	vimm.s32 $0xBA987654;
	v9 =	vimm.s32 $0xFEDCBA98;
	v10 =	vimm.s32 $0x76543210;
	s0 =	sand.u32 $0x1, s0;
	s1 =	sshll.u32 s1, $0x1  }
0x4: {  	vm1 =	vcmask $0x300;
	v3 =	vunpack.c.l.s4.s8 v3;
	v5 =	vunpack.c.l.s4.s8 v5;
	s2 =	sor.u32 s0, s1  }
0x5: {  	v6 =	vunpack.c.l.s4.s8 v6;
	v7 =	vunpack.c.l.s4.s8 v7;
	v8 =	vunpack.c.l.s4.s8 v8;
	s1 =	sadd.s32 $0xFFFFFFF0, s2  }
0x6: {  	v9 =	vunpack.c.l.s4.s8 v9;
	v10 =	vunpack.c.l.s4.s8 v10;
	v1 =	vmov s1  }
0x7: {  	s3 =	rddreg [dreg:$0x0];
	v11 =	vmul.u32 $0xFFFFFFFF, v0;
	v12 =	vadd.s32 $0x1, v0;
	v1 =	vsub.s32 v0, v1  }
0x8: {  	s6 =	rddreg [dreg:$0x2];
	v4 =	vmov s2;
	v3 =	vunpack.c.0.s8.s32 v3;
	v2 =	vsub.s32 $0x0, v1  }
0x9: {  	s4 =	simm.s32 $0x0;
	s13 =	simm.s32 $0x2;
	s15 =	simm.s32 $0x1;
	v5 =	vunpack.c.0.s8.s32 v5;
	v1 =	vmin.u32 v1, v2;
	v2 =	vimm.s32 $0xFEDCBA9  }
0xa: {  	s16 =	simm.s32 $0x18700;
	s17 =	simm.s32 $0x18680;
	s18 =	simm.s32 $0x1B480;
	v6 =	vunpack.c.0.s8.s32 v6;
	v7 =	vunpack.c.0.s8.s32 v7;
	v2 =	vunpack.c.l.s4.s8 v2  }
0xb: {  	s19 =	simm.s32 $0x0;
	[smem:$0x7FF] =	sst s4;
	s5 =	sadd.s32 $0x200, s6;
	v8 =	vunpack.c.0.s8.s32 v8;
	v9 =	vunpack.c.0.s8.s32 v9;
	vm0 =	vlt.s32 v1, $0x1  }
0xc: {  	s0 =	ssub.s32 $0x2, s0;
	s7 =	smul.u32 $0x30D4, s2;
	s8 =	sshll.u32 s2, $0x1;
	v11 =	vadd.s32 $0xFFFFFFFF, v11;
	v1 =	vnsel vm0, $0x1, v1;
	v2 =	vunpack.c.0.s8.s32 v2  }
.Ltmp0:
0xd: {  	s29 =	sshrl.u32 s0, $0x1;
	s1 =	rddreg [dreg:$0x3];
	vm0 =	veq.s32 v4, v0;
	v4 =	vcombine.low v8, v7;
	v1 =	vsub.s32 $0x1, v1;
	(pc) =	sbr.rel .LBB2_1-.Ltmp0, $4  }
0xe: {  	_ =	strace $0x80000047;
	s9 =	sadd.s32 s8, s6;
	s0 =	ssub.s32 s0, s29;
	v2 =	vcombine.low v3, v2;
	v3 =	vcombine.low v6, v5;
	v5 =	vunpack.c.0.s8.s32 v10  }
0xf: {  	s30 =	sadd.s32 s3, s8;
	s10 =	sadd.s32 s7, s6;
	s6 =	sshll.u32 s2, $0x4;
	v8 =	vand.u32 $0xF, v4;
	v6 =	vand.u32 $0xF, v9;
	v10 =	vimm.s32 $0x0  }
0x10: {  	[dreg:$0x6] =	wrdreg s30;
	s31 =	sadd.s32 $0xA00, s9;
	s9 =	sadd.s32 $0x62800, s9;
	v9 =	vsel vm1, $0xFFFFFFFF, v10;
	vm1 =	vcmask $0x704;
	v5 =	vcombine.low v6, v5  }
0x11: {  	s11 =	smax.u32 s0, $0x1;
	[dreg:$0x7] =	wrdreg s31;
	s10 =	sadd.s32 $0xC00, s10;
	v6 =	vand.u32 $0xF, v2;
	v7 =	vand.u32 $0xF, v3;
	v10 =	vsel vm1, $0xFFFFFFFF, v10  }
.LBB2_11:
0x12: {  	s0 =	ssub.s32 s22, s20  }
0x13: {  	p0 =	sgt.s32 s0, $0x0  }
0x14: {  	s0 =	simm.s32 @!p0 $0x0  }
0x15: {  	v14 =	vadd.s32 s0, v14  }
0x16: {  	v15 =	vand.u32 s0, v9;
	v16 =	vand.u32 v10, v14  }
0x17: {  	v15 =	vadd.s32 v15, v16  }
0x18: {  	s31 =	rddreg [dreg:$0x7];
	[tilespmem:$0x1B480] =	vst v15  }
0x19: {  	[hbm4b:s31+s4] =	stream.linear.scatter [tilespmem:s18], [sflag:$0x2], $0x10, $0x38;
	[tilespmem:$0x1B500] =	vst v63  }
0x1a: {  	_ =	swait.ge [sflag:s13], $0x10  }
0x1b: {  	[sflag:s13] =	ssyncset.done $0x0  }
0x1c: {  	v15 =	vsub.s32 v12, v14;
	[sflag:s13] =	ssyncadd.s32 $0xFFFFFFF0  }
0x1d: {  	v17 =	vsub.s32 $0x0, v15;
	v63 =	vld [tilespmem:$0x1B400]  }
0x1e: {  	v15 =	vmin.u32 v15, v17  }
0x1f: {  	vm1 =	vlt.s32 v15, $0x1  }
0x20: {  	v15 =	vnsel vm1, $0x1, v15  }
0x21: {  	v13 =	vperm.xlane v13, v2;
	v14 =	vadd.s32 v11, v14;
	v15 =	vsub.s32 $0x1, v15  }
0x22: {  	vm1 =	vgt.s32 v14, $0x0;
	v14 =	vmul.u32 v15, v63  }
0x23: {  	v13 =	vnsel vm1, $0x0, v13  }
0x24: {  	v13 =	vadd.s32 v13, v14  }
0x25: {  	[tilespmem:$0x1B480] =	vst v13  }
0x26: {  	[hbm4b:s9+s4] =	stream.linear.scatter [tilespmem:s18], [sflag:$0x2], $0x10, $0x38;
	[tilespmem:$0x1B500] =	vst v63  }
0x27: {  	s19 =	sadd.s32 $0x1, s19;
	_ =	swait.ge [sflag:s13], $0x10  }
0x28: {  	p0 =	sne.s32 s19, s11;
	[sflag:s13] =	ssyncset.done $0x0  }
.Ltmp1:
0x29: {  	[sflag:s13] =	ssyncadd.s32 $0xFFFFFFF0;
	(pc) =	sbr.rel @!p0 .LBB2_12-.Ltmp1, $4  }
0x2a: {  	[hbm4b:s10+s4] =	stream.linear.scatter [tilespmem:s4], [sflag:$0x2], $0x186A0, $0x38;
	[tilespmem:$0x1B500] =	vst v63  }
0x2b: {  	_ =	swait.ge [sflag:s13], $0x186A0  }
0x2c: {  	[sflag:s13] =	ssyncset.done $0x0  }
0x2d: {  	[sflag:s13] =	ssyncadd.s32 $0xFFFE7960  }
.LBB2_1:
0x2e: {  	s0 =	rddreg [dreg:$0x4];
	s2 =	simm.s32 $0x1B380  }
0x2f: {  	[tilespmem:s2], [sflag:$0x2] =	stream.linear.gather [hbm4b:s0+s4], $0x80, $0x38;
	[tilespmem:$0x1B500] =	vst v63  }
0x30: {  	_ =	swait.ge [sflag:s13], $0x80  }
0x31: {  	[sflag:s13] =	ssyncset.done $0x0  }
0x32: {  	[sflag:s13] =	ssyncadd.s32 $0xFFFFFF80  }
0x33: {  	v13 =	vld [tilespmem:$0x1B390]  }
0x34: {  	v14 =	vld [tilespmem:$0x1B380];
	_ =	sdelay $0x3  }
0x35: {  	v13 =	vmul.u32 v1, v13  }
0x36: {  	v14 =	vnsel vm0, $0x0, v14  }
0x37: {  	v13 =	vadd.s32 v14, v13  }
0x38: {  	v14 =	vperm.xlane v13, v2;
	_ =	sdelay $0x1  }
0x39: {  	v13 =	vadd.s32 v14, v13  }
0x3a: {  	v14 =	vperm.xlane v13, v3;
	_ =	sdelay $0x1  }
0x3b: {  	v13 =	vadd.s32 v14, v13  }
0x3c: {  	v14 =	vperm.xlane v13, v4;
	_ =	sdelay $0x1  }
0x3d: {  	v13 =	vadd.s32 v14, v13  }
0x3e: {  	v14 =	vperm.xlane v13, v5;
	_ =	sdelay $0x1  }
0x3f: {  	v14 =	vadd.s32 v14, v13  }
0x40: {  	(v2sf) =	vpush v14, $0x0;
	_ =	sdelay $0xc  }
0x41: {  	s3 =	simm.s32 $0x1B300;
	s31 =	rddreg [dreg:$0x6];
	[tilespmem:$0x1B480] =	vst v14  }
0x42: {  	[tilespmem:s3], [sflag:$0x2] =	stream.linear.gather [hbm4b:s31+s4], $0x10, $0x38;
	[tilespmem:$0x1B500] =	vst v63  }
.Ltmp2:
0x43: {  	s30 =	spop (v2sf);
	(pc) =	sbr.rel .LBB2_2-.Ltmp2, $4  }
0x44: {  	_ =	swait.ge [sflag:s13], $0x10  }
0x45: {  	s22 =	simm.s32 $0x0;
	s20 =	sadd.s32 $0xFFFFFFFF, s30;
	[sflag:s13] =	ssyncset.done $0x0  }
0x46: {  	p0 =	slt.s32 s20, $0xF;
	s21 =	smov.u32 s20;
	[sflag:s13] =	ssyncadd.s32 $0xFFFFFFF0  }
0x47: {  	s23 =	simm.s32 $0x0;
	s24 =	simm.s32 $0x0;
	s21 =	simm.s32 @!p0 $0xF;
	v13 =	vld [tilespmem:$0x1B300]  }
.LBB2_10:
0x48: {  	v15 =	vld [tilespmem:$0x1B480];
	_ =	sdelay $0x4  }
0x49: {  	(v2sf) =	vpush v15, $0x0;
	_ =	sdelay $0xd  }
0x4a: {  	p0 =	seq.s32 s24, $0xF;
	s0 =	simm.s32 $0x1  }
0x4b: {  	s0 =	simm.s32 @!p0 $0x0;
	s2 =	spop (v2sf)  }
0x4c: {  	p0 =	sgt.s32 s2, s0  }
0x4d: {  	s31 =	ssub.s32 s24, s22;
	s24 =	sadd.s32 $0x1, s24;
	s0 =	smov.u32 @p0 s2  }
0x4e: {  	p1 =	sne.s32 s24, $0x10;
	s0 =	smul.u32 s25, s0  }
.Ltmp3:
0x4f: {  	_ = 	snop;
	(pc) =	sbr.rel @!p1 .LBB2_11-.Ltmp3, $4  }
0x50: {  	_ = 	snop  }
0x51: {  	s2 =	smul.u32 s31, s0;
	s23 =	sadd.s32 s23, s0  }
0x52: {  	p0 =	slt.s32 s23, $0x1  }
0x53: {  	s23 =	simm.s32 @!p0 $0x1;
	s22 =	sadd.s32 s22, s2  }
.LBB2_2:
0x54: {  	s0 =	ssub.s32 s24, s21  }
0x55: {  	s25 =	ssub.s32 $0x1, s23;
	p0 =	slt.u32 s0, $0x7FFFFFFF  }
0x56: {  	s25 =	simm.s32 @!p0 $0x0  }
0x57: {  	p0 =	sne.s32 s25, $0x1  }
.Ltmp4:
0x58: {  	_ = 	snop;
	(pc) =	sbr.rel @p0 .LBB2_10-.Ltmp4, $1  }
0x59: {  	_ =	sdelay $0x3  }
0x5a: {  	s26 =	sadd.s32 s6, s24;
	s0 =	sand.u32 $0x7, s24  }
0x5b: {  	p0 =	seq.s32 s26, $0x0;
	p1 =	sne.s32 s0, $0x0  }
0x5c: {  	p0 =	por !p0, !p1  }
0x5d: {  	s3 =	sshll.u32 s24, $0x7;
	s0 =	simm.s32 $0x1;
	p0 =	por !p0, !p0  }
0x5e: {  	s30 =	simm.s32 $0x0;
	s2 =	sshrl.u32 s26, $0x3;
	s0 =	simm.s32 @!p0 $0x0  }
0x5f: {  	s31 =	simm.s32 $0x0;
	s14 =	sand.u32 $0x380, s3;
	s0 =	ssub.s32 s2, s0  }
0x60: {  	s29 =	sadd.s32 $0x18700, s14;
	s2 =	simm.s32 $0x0;
	s28 =	smul.u32 $0xC3800, s0  }
.LBB2_4:
0x61: {  	s0 =	smul.u32 $0x2C00, s2;
	_ =	sdelay $0x1  }
0x62: {  	s0 =	sadd.s32 s28, s0  }
0x63: {  	s0 =	sshrl.u32 s0, $0x3  }
0x64: {  	s0 =	sadd.s32 s1, s0  }
0x65: {  	[tilespmem:s16], [sflag:$0x1] =	stream.linear.gather [hbm4b:s0+s30], $0x2C00, $0x38;
	[tilespmem:$0x1B500] =	vst v63  }
0x66: {  	s3 =	sand.u32 $0x3C00, s30;
	_ =	swait.ge [sflag:s15], $0x2C00  }
0x67: {  	s3 =	sadd.s32 s3, s29;
	s0 =	sand.u32 $0x70, s30;
	[sflag:s15] =	ssyncset.done $0x0  }
0x68: {  	s12 =	sadd.s32 s0, s3;
	[sflag:s15] =	ssyncadd.s32 $0xFFFFD400  }
0x69: {  	s14 =	sadd.s32 $0x0, s31;
	v15 =	vld [tilespmem:s12+$0x0]  }
0x6a: {  	s14 =	sand.u32 $0x7FF80, s14;
	s3 =	simm.s32 $0x10;
	s12 =	simm.s32 $0x80  }
.LBB2_5:
0x6b: {  	s7 =	sand.u32 $0x3C00, s12;
	p0 =	sne.s32 s3, $0x570  }
0x6c: {  	s8 =	smov.u32 s3;
	s3 =	sadd.s32 $0x10, s3;
	s14 =	sor.u32 s0, s14  }
.Ltmp5:
0x6d: {  	s7 =	sadd.s32 s7, s29;
	s0 =	sand.u32 $0x70, s8;
	(pc) =	sbr.rel @p0 .LBB2_5-.Ltmp5, $4  }
0x6e: {  	s7 =	sadd.s32 s0, s7;
	[tilespmem:s14+$0x0] =	vst v15  }
0x6f: {  	v15 =	vld [tilespmem:s7+$0x0]  }
0x70: {  	s7 =	sadd.s32 s8, s31  }
0x71: {  	s12 =	sadd.s32 $0x80, s12;
	s14 =	sand.u32 $0x7FF80, s7  }
0x72: {  	s2 =	sadd.s32 $0x1, s2  }
0x73: {  	p0 =	sne.s32 s2, $0x47  }
.Ltmp6:
0x74: {  	_ = 	snop;
	(pc) =	sbr.rel @p0 .LBB2_4-.Ltmp6, $3  }
0x75: {  	_ =	sdelay $0x1  }
0x76: {  	s0 =	sor.u32 s0, s14  }
0x77: {  	s31 =	sadd.s32 $0x580, s31;
	[tilespmem:s0+$0x0] =	vst v15  }
0x78: {  	s0 =	sshll.u32 s26, $0x2  }
0x79: {  	s26 =	simm.s32 $0x0;
	s0 =	sadd.s32 s5, s0  }
0x7a: {  	[tilespmem:s17], [sflag:$0x2] =	stream.linear.gather [hbm4b:s0+s26], $0x20, $0x38;
	[tilespmem:$0x1B500] =	vst v63  }
0x7b: {  	_ =	swait.ge [sflag:s13], $0x20  }
0x7c: {  	[sflag:s13] =	ssyncset.done $0x0  }
0x7d: {  	s0 =	simm.s32 $0x50;
	[sflag:s13] =	ssyncadd.s32 $0xFFFFFFE0  }
0x7e: {  	v15 =	vld [tilespmem:s0+$0xFFFFFFB0];
	_ =	sdelay $0x1  }
0x7f: {  	v16 =	vld [tilespmem:s0+$0xFFFFFFC0];
	_ =	sdelay $0x1  }
0x80: {  	v17 =	vimm.f32 $-3.399999950e+38;
	v18 =	vld [tilespmem:s0+$0xFFFFFFD0]  }
0x81: {  	vm1 =	vgt.f32 v15, v17  }
0x82: {  	v15 =	vsel vm1, v15, v17;
	v17 =	vld [tilespmem:s0+$0xFFFFFFE0]  }
0x83: {  	vm2 =	vgt.f32 v16, v15  }
0x84: {  	v15 =	vsel vm2, v16, v15;
	v16 =	vld [tilespmem:s0+$0xFFFFFFF0]  }
0x85: {  	vm3 =	vgt.f32 v18, v15  }
0x86: {  	v15 =	vsel vm3, v18, v15;
	v18 =	vld [tilespmem:s0+$0x0]  }
0x87: {  	v19 =	vimm.s32 $0x0;
	s2 =	simm.s32 $0x10;
	v20 =	vor.u32 s26, v0;
	vm4 =	vgt.f32 v17, v15  }
0x88: {  	s7 =	simm.s32 $0x20;
	v19 =	vsel vm1, v20, v19;
	v20 =	vor.u32 s2, v0;
	v15 =	vsel vm4, v17, v15  }
0x89: {  	s8 =	simm.s32 $0x30;
	v19 =	vsel vm2, v20, v19;
	v20 =	vor.u32 s7, v0;
	v17 =	vld [tilespmem:s0+$0x10];
	vm1 =	vgt.f32 v16, v15  }
0x8a: {  	s12 =	simm.s32 $0x40;
	s30 =	simm.s32 $0x80;
	v15 =	vsel vm1, v16, v15;
	v16 =	vsel vm3, v20, v19;
	v19 =	vor.u32 s8, v0  }
0x8b: {  	s14 =	simm.s32 $0x50;
	s3 =	sand.u32 $0x7FF80, s30;
	v21 =	vld [tilespmem:s0+$0x20];
	s7 =	sand.u32 $0x60, s26;
	vm2 =	vgt.f32 v18, v15;
	v16 =	vsel vm4, v19, v16;
	v19 =	vor.u32 s12, v0  }
0x8c: {  	s8 =	sor.u32 s7, s3;
	v15 =	vsel vm2, v18, v15;
	v16 =	vsel vm1, v19, v16;
	v18 =	vor.u32 s14, v0  }
0x8d: {  	v18 =	vsel vm2, v18, v16;
	v16 =	vld [tilespmem:s8+$0x0]  }
0x8e: {  	s12 =	simm.s32 $0x60;
	vm1 =	vgt.f32 v17, v15  }
0x8f: {  	v19 =	vor.u32 s12, v0;
	s14 =	simm.s32 $0x70;
	v15 =	vsel vm1, v17, v15;
	v17 =	vld [tilespmem:s0+$0x40]  }
0x90: {  	s29 =	simm.s32 $0xF0;
	v22 =	vor.u32 s14, v0;
	v20 =	vsel vm1, v19, v18;
	vm1 =	vgt.f32 v21, v15  }
0x91: {  	s28 =	simm.s32 $0xA0;
	s31 =	simm.s32 $0x140;
	v18 =	vld [tilespmem:s29+$0xFFFFFFB0];
	v19 =	vsel vm1, v21, v15;
	v15 =	vsel vm1, v22, v20  }
.LBB2_8:
0x92: {  	p0 =	sne.s32 s31, $0x18600;
	vm1 =	vgt.f32 v16, v19;
	v20 =	vor.u32 s30, v0  }
0x93: {  	s0 =	sadd.s32 $0x90, s26;
	s26 =	smov.u32 s28;
	s28 =	smov.u32 s31;
	v21 =	vld [tilespmem:s29+$0xFFFFFFC0];
	v16 =	vsel vm1, v16, v19;
	v15 =	vsel vm1, v20, v15  }
0x94: {  	v19 =	vor.u32 s0, v0;
	vm1 =	vgt.f32 v17, v16  }
0x95: {  	v20 =	vld [tilespmem:s29+$0xFFFFFFD0];
	v16 =	vsel vm1, v17, v16;
	v15 =	vsel vm1, v19, v15  }
0x96: {  	v17 =	vor.u32 s26, v0;
	vm1 =	vgt.f32 v18, v16  }
0x97: {  	s0 =	sadd.s32 $0x10, s26;
	v16 =	vsel vm1, v18, v16;
	v15 =	vsel vm1, v17, v15;
	v17 =	vld [tilespmem:s29+$0xFFFFFFE0]  }
0x98: {  	v18 =	vor.u32 s0, v0;
	vm1 =	vgt.f32 v21, v16  }
0x99: {  	s0 =	sadd.s32 $0x20, s26;
	v16 =	vsel vm1, v21, v16;
	v15 =	vsel vm1, v18, v15;
	v18 =	vld [tilespmem:s29+$0xFFFFFFF0]  }
0x9a: {  	v19 =	vor.u32 s0, v0;
	vm1 =	vgt.f32 v20, v16  }
0x9b: {  	s0 =	sadd.s32 $0x30, s26;
	v16 =	vsel vm1, v20, v16;
	v15 =	vsel vm1, v19, v15;
	v19 =	vld [tilespmem:s29+$0x0]  }
0x9c: {  	v20 =	vor.u32 s0, v0;
	vm1 =	vgt.f32 v17, v16  }
0x9d: {  	s0 =	sadd.s32 $0x40, s26;
	v16 =	vsel vm1, v17, v16;
	v15 =	vsel vm1, v20, v15;
	v17 =	vld [tilespmem:s29+$0x10]  }
0x9e: {  	s30 =	sadd.s32 $0x80, s26;
	v20 =	vor.u32 s0, v0;
	vm1 =	vgt.f32 v18, v16  }
0x9f: {  	s3 =	sand.u32 $0x60, s26;
	s2 =	sand.u32 $0x7FF80, s30;
	s0 =	sadd.s32 $0x50, s26;
	v16 =	vsel vm1, v18, v16;
	v15 =	vsel vm1, v20, v15;
	v20 =	vld [tilespmem:s29+$0x20]  }
0xa0: {  	v18 =	vor.u32 s0, v0;
	s0 =	sor.u32 s3, s2;
	vm1 =	vgt.f32 v19, v16  }
.Ltmp7:
0xa1: {  	s2 =	sadd.s32 $0x60, s26;
	v19 =	vsel vm1, v19, v16;
	v15 =	vsel vm1, v18, v15;
	v16 =	vld [tilespmem:s0+$0x0];
	(pc) =	sbr.rel @p0 .LBB2_8-.Ltmp7, $4  }
0xa2: {  	v18 =	vor.u32 s2, v0;
	vm1 =	vgt.f32 v17, v19  }
0xa3: {  	s0 =	sadd.s32 $0x70, s26;
	v19 =	vsel vm1, v17, v19;
	v15 =	vsel vm1, v18, v15;
	v17 =	vld [tilespmem:s29+$0x40]  }
0xa4: {  	v21 =	vor.u32 s0, v0;
	s29 =	sadd.s32 $0xA0, s29;
	vm1 =	vgt.f32 v20, v19  }
0xa5: {  	s31 =	sadd.s32 $0xA0, s31;
	v18 =	vld [tilespmem:s29+$0xFFFFFFB0];
	v19 =	vsel vm1, v20, v19;
	v15 =	vsel vm1, v21, v15  }
0xa6: {  	vm7 =	vgt.f32 v16, v19  }
0xa7: {  	v20 =	vld [tilespmem:s29+$0xFFFFFFC0];
	v16 =	vsel vm7, v16, v19  }
0xa8: {  	vm11 =	vgt.f32 v17, v16  }
0xa9: {  	v33 =	vld [tilespmem:s29+$0xFFFFFFD0];
	v16 =	vsel vm11, v17, v16  }
0xaa: {  	vm8 =	vgt.f32 v18, v16  }
0xab: {  	v34 =	vld [tilespmem:s29+$0xFFFFFFE0];
	v16 =	vsel vm8, v18, v16  }
0xac: {  	vm5 =	vgt.f32 v20, v16  }
0xad: {  	v35 =	vld [tilespmem:s29+$0xFFFFFFF0];
	v16 =	vsel vm5, v20, v16  }
0xae: {  	vm6 =	vgt.f32 v33, v16  }
0xaf: {  	v36 =	vld [tilespmem:s29+$0x0];
	v16 =	vsel vm6, v33, v16  }
0xb0: {  	vm3 =	vgt.f32 v34, v16  }
0xb1: {  	v37 =	vld [tilespmem:s29+$0x10];
	v16 =	vsel vm3, v34, v16  }
0xb2: {  	s0 =	sadd.s32 $0x80, s28;
	vm1 =	vgt.f32 v35, v16  }
0xb3: {  	v38 =	vld [tilespmem:s29+$0x20];
	s3 =	sand.u32 $0x60, s28;
	s2 =	sand.u32 $0x7FF80, s0;
	v16 =	vsel vm1, v35, v16  }
0xb4: {  	s2 =	sor.u32 s3, s2;
	vm12 =	vgt.f32 v36, v16  }
0xb5: {  	v39 =	vld [tilespmem:s2+$0x0];
	v16 =	vsel vm12, v36, v16  }
0xb6: {  	vm9 =	vgt.f32 v37, v16  }
0xb7: {  	v40 =	vld [tilespmem:s29+$0x40];
	v16 =	vsel vm9, v37, v16  }
0xb8: {  	vm10 =	vgt.f32 v38, v16  }
0xb9: {  	v16 =	vsel vm10, v38, v16  }
0xba: {  	vm4 =	vgt.f32 v39, v16  }
0xbb: {  	v16 =	vsel vm4, v39, v16  }
0xbc: {  	vm2 =	vgt.f32 v40, v16  }
0xbd: {  	v16 =	vsel vm2, v40, v16  }
0xbe: {  	v41 =	vor.u32 s30, v0;
	s31 =	sadd.s32 $0x90, s26;
	v42 =	vperm.xlane v16, v6  }
0xbf: {  	v15 =	vsel vm7, v41, v15;
	v43 =	vor.u32 s31, v0  }
0xc0: {  	v44 =	vor.u32 s28, v0;
	s3 =	sadd.s32 $0x10, s28;
	v15 =	vsel vm11, v43, v15;
	v18 =	vmax.f32 v16, v42  }
0xc1: {  	s7 =	sadd.s32 $0x20, s28;
	v45 =	vor.u32 s3, v0;
	v15 =	vsel vm8, v44, v15;
	v46 =	vperm.xlane v18, v7  }
0xc2: {  	s8 =	sadd.s32 $0x30, s28;
	v47 =	vor.u32 s7, v0;
	v15 =	vsel vm5, v45, v15  }
0xc3: {  	s12 =	sadd.s32 $0x40, s28;
	v49 =	vor.u32 s8, v0;
	v15 =	vsel vm6, v47, v15;
	v48 =	vmax.f32 v18, v46  }
0xc4: {  	s14 =	sadd.s32 $0x50, s28;
	v50 =	vor.u32 s12, v0;
	v15 =	vsel vm3, v49, v15;
	v19 =	vperm.xlane v48, v8  }
0xc5: {  	s26 =	sadd.s32 $0x60, s28;
	v51 =	vor.u32 s14, v0;
	v15 =	vsel vm1, v50, v15  }
0xc6: {  	s29 =	sadd.s32 $0x70, s28;
	v52 =	vor.u32 s26, v0;
	v15 =	vsel vm12, v51, v15;
	v17 =	vmax.f32 v48, v19  }
0xc7: {  	v53 =	vor.u32 s29, v0;
	v15 =	vsel vm9, v52, v15;
	v19 =	vperm.xlane v17, v5  }
0xc8: {  	s30 =	sadd.s32 $0x90, s28;
	v54 =	vor.u32 s0, v0;
	v15 =	vsel vm10, v53, v15  }
0xc9: {  	v55 =	vor.u32 s30, v0;
	v15 =	vsel vm4, v54, v15;
	v17 =	vmax.f32 v17, v19  }
0xca: {  	v15 =	vsel vm2, v55, v15;
	v16 =	vsub.f32 v17, v16  }
0xcb: {  	v15 =	vcvt.s32.f32 v15  }
0xcc: {  	v16 =	vmul.f32 $9.999999680e+37, v16  }
0xcd: {  	s31 =	sxor.u32 $0xFFFFFFFF, s24;
	v56 =	vsub.f32 $1.048576000e+06, v15  }
0xce: {  	v57 =	vadd.s32 s31, v0;
	v16 =	vmin.f32 v16, $1.000000000e+00  }
0xcf: {  	v58 =	vsub.s32 $0x0, v57;
	v16 =	vmul.f32 v16, v56  }
0xd0: {  	v17 =	vmin.u32 v57, v58  }
0xd1: {  	vm1 =	vlt.s32 v17, $0x1;
	v15 =	vadd.f32 v15, v16  }
0xd2: {  	v59 =	vnsel vm1, $0x1, v17  }
0xd3: {  	v16 =	vsub.s32 $0x1, v59;
	v60 =	vperm.xlane v15, v6  }
0xd4: {  	v16 =	vmul.u32 v13, v16  }
0xd5: {  	v15 =	vmin.f32 v15, v60  }
0xd6: {  	v61 =	vperm.xlane v16, v6;
	v17 =	vperm.xlane v15, v7;
	_ =	sdelay $0x1  }
0xd7: {  	v16 =	vadd.s32 v16, v61;
	v15 =	vmin.f32 v15, v17  }
0xd8: {  	v18 =	vperm.xlane v16, v7;
	v17 =	vperm.xlane v15, v8;
	_ =	sdelay $0x1  }
0xd9: {  	v16 =	vadd.s32 v18, v16;
	v15 =	vmin.f32 v15, v17  }
0xda: {  	v18 =	vperm.xlane v16, v8;
	v17 =	vperm.xlane v15, v5;
	_ =	sdelay $0x1  }
0xdb: {  	v16 =	vadd.s32 v18, v16;
	v15 =	vmin.f32 v15, v17  }
0xdc: {  	v62 =	vperm.xlane v16, v5;
	v15 =	vtrunc.f32 v15  }
0xdd: {  	v15 =	vcvt.f32.s32 v15  }
0xde: {  	v16 =	vadd.s32 v62, v16  }
0xdf: {  	v16 =	vsub.s32 v15, v16  }
.Ltmp8:
0xe0: {  	v63 =	vsub.s32 $0x0, v16;
	(pc) =	sbr.rel .LBB2_10-.Ltmp8, $4  }
0xe1: {  	v16 =	vmin.u32 v16, v63  }
0xe2: {  	vm1 =	vlt.s32 v16, $0x1  }
0xe3: {  	[tilespmem:$0x1B400] =	vst v15;
	v15 =	vnsel vm1, $0x1, v16  }
0xe4: {  	[tilespmem:$0x1B480] =	vst v15  }
.LBB2_12:
0xe5: {  	_ =	sfence.sel $0x180000  }
0xe6: {  	[bflag:$0x0] =	sbarrier.arrive $0xFFFF  }
0xe7: {  	_ =	strace $0x90000047  }
0xe8: {  	s0 =	stileid.u32;
	[bflag:$0x2] =	sbarrier.arrive $0xFFFF  }
0xe9: {  	p0 =	sne.s32 s0, $0x0;
	s0 =	rddreg [dreg:$0x5]  }
0xea: {  	s0 =	sadd.s32 @!p0 $0x100000, s0  }
0xeb: {  	[sflag:s0] =	ssyncadd.tile.s32 @!p0 $0x1;
	_ =	shalt  }
.Lfunc_end2:
_tile_overlayer_lowered:
.L_overlay_start_2:
0xec: {  	(tag) =	ssettag $0x2  }
0xed: {  	s0 =	rddreg [dreg:$0x0];
	s2 =	stileid.u32  }
0xee: {  	s1 =	rddreg [dreg:$0x1];
	p0 =	sne.s32 s2, $0x0  }
0xef: {  	s3 =	rddreg [dreg:$0x2];
	[bflag:$0x3] =	sbarrier.arrive $0xFFFF;
	s2 =	simm.s32 @!p0 $0x1C02  }
0xf0: {  	[timem:s3], [sflag:s2] =	dma.local @!p0 [hbm:s0], s1  }
0xf1: {  	s0 =	simm.s32 @!p0 $0x2  }
0xf2: {  	_ =	swait.ge @!p0 [sflag:s0], s1  }
0xf3: {  	s1 =	ssub.s32 @!p0 $0x0, s1;
	[sflag:s0] =	ssyncset.done @!p0 $0x0  }
0xf4: {  	[sflag:s0] =	ssyncadd.s32 @!p0 s1  }
0xf5: {  	[bflag:$0x3] =	sbarrier.arrive $0xFFFF  }
0xf6: {  	_ =	shalt  }

</sc_bundles>
